<compile_context>
chip_gen: v7x
topology: tpu7x:2x2x1
jax: 0.10.2.dev20260603
libtpu: 0.0.44.dev20260713+nightly
codegen_flags: <defaults>
</compile_context>

<pallas_src>
import functools

import jax
import jax.numpy as jnp
from jax import lax
from jax.experimental import pallas as pl
from jax.experimental.pallas import tpu as pltpu
from jax.experimental.pallas import tpu_sc as plsc

N_BINS = 15


def _tc_body(lt_ref, labels_ref, out_ref):
    xt = lt_ref[...]
    c, r = xt.shape
    m = jnp.max(xt, axis=0, keepdims=True)
    e = jnp.exp(xt)
    ones = jnp.ones((1, c), jnp.float32)
    s = lax.dot_general(ones, e, (((1,), (0,)), ((), ())),
                        preferred_element_type=jnp.float32)
    conf = jnp.exp(m) / s
    mask = (xt == m).astype(jnp.float32)
    ci = lax.broadcasted_iota(jnp.int32, (1, c), 1)
    w = lax.bitcast_convert_type((127 + 63 - ci) << 23, jnp.float32)
    pv = lax.dot_general(w, mask, (((1,), (0,)), ((), ())),
                         preferred_element_type=jnp.float32)
    ex = (lax.bitcast_convert_type(pv, jnp.int32) >> 23) - 127
    pred = 63 - ex
    lab = labels_ref[0]
    out_ref[0] = jnp.where(pred == lab, -conf, conf)


def _tc_stats(lt, labels3, block_rows, g_slice, base):
    c = lt.shape[0]
    packed = pl.pallas_call(
        _tc_body,
        grid=(g_slice,),
        in_specs=[
            pl.BlockSpec((c, block_rows), lambda i: (0, base + i)),
            pl.BlockSpec((1, 1, block_rows), lambda i: (base + i, 0, 0)),
        ],
        out_specs=pl.BlockSpec((1, 1, block_rows), lambda i: (i, 0, 0)),
        out_shape=jax.ShapeDtypeStruct((g_slice, 1, block_rows), jnp.float32),
        compiler_params=pltpu.CompilerParams(
            dimension_semantics=("arbitrary",)),
    )(lt, labels3)
    return packed.reshape(g_slice * block_rows)


def _sc_hist(packed):
    n = packed.shape[0]
    info = plsc.get_sparse_core_info()
    nc, ns = info.num_cores, info.num_subcores
    nw = nc * ns
    chunk = n // nw

    mesh = plsc.VectorSubcoreMesh(core_axis_name="c", subcore_axis_name="s")

    @functools.partial(
        pl.kernel,
        mesh=mesh,
        out_type=jax.ShapeDtypeStruct((nw * 512,), jnp.float32),
        compiler_params=pltpu.CompilerParams(needs_layout_passes=False),
        scratch_types=[
            pltpu.VMEM((chunk,), jnp.float32),
            pltpu.VMEM((512,), jnp.float32),
        ],
    )
    def hist(packed_hbm, out_hbm, packed_v, hist_v):
        wid = lax.axis_index("s") * nc + lax.axis_index("c")
        base = wid * chunk
        pltpu.sync_copy(packed_hbm.at[pl.ds(base, chunk)], packed_v)
        zeros = jnp.zeros((16,), jnp.float32)
        for j in range(32):
            hist_v[pl.ds(j * 16, 16)] = zeros
        lane = lax.iota(jnp.int32, 16)

        def step(off):
            p16 = packed_v[pl.ds(off, 16)]
            c16 = jnp.abs(p16)
            ca16 = jnp.where(p16 < 0.0, 4097.0, 1.0)
            b = jnp.minimum((c16 * float(N_BINS)).astype(jnp.int32), N_BINS - 1)
            idx = b * 16 + lane
            plsc.addupdate_scatter(hist_v, [idx], ca16)
            plsc.addupdate_scatter(hist_v, [idx + 256], c16)

        unroll = 4
        def body(i, carry):
            for u in range(unroll):
                step(i * (16 * unroll) + u * 16)
            return carry

        lax.fori_loop(0, chunk // (16 * unroll), body, 0)
        pltpu.sync_copy(hist_v, out_hbm.at[pl.ds(wid * 512, 512)])

    return hist(packed).reshape(nw, 2, 16, 16)


def kernel(logits, labels):
    n, c = logits.shape
    n_slices = 2
    block_rows = 32768
    g = n // block_rows
    g_slice = g // n_slices
    lt = logits.T
    labels3 = labels.astype(jnp.int32).reshape(g, 1, block_rows)
    parts = []
    for si in range(n_slices):
        packed = _tc_stats(lt, labels3, block_rows, g_slice, si * g_slice)
        parts.append(_sc_hist(packed))
    parts = jnp.stack(parts)
    ca = parts[:, :, 0]
    sacc_p = jnp.floor(ca * (1.0 / 4096.0))
    cnt_p = ca - 4096.0 * sacc_p
    cnt = cnt_p.sum(axis=(0, 1, 3))[:N_BINS]
    sacc = sacc_p.sum(axis=(0, 1, 3))[:N_BINS]
    sconf = parts[:, :, 1].sum(axis=(0, 1, 3))[:N_BINS]
    safe = jnp.maximum(cnt, 1.0)
    term = jnp.abs(sconf / safe - sacc / safe) * (cnt / n)
    ece = jnp.sum(jnp.where(cnt > 0, term, 0.0))
    return ece.reshape(1)

# --- scband reference (transcript-rebuilt; emitter-appended) ---
"""Pipeline reference for scband-eceloss-33638183862595 (READ-ONLY COPY).

The authoritative reference and input builder live on the scoring server;
editing this copy changes nothing except your own understanding.
"""

import jax, jax.numpy as jnp
import numpy as np

N_BINS = 15


def setup_inputs(seed: int = 0) -> dict:
    key = jax.random.key(seed)
    k1, k2 = jax.random.split(key)
    logits = jax.random.normal(k1, (1048576, 64), dtype=jnp.float32)
    labels = jax.random.randint(k2, (1048576,), 0, 64, dtype=jnp.int64)
    return {"logits": logits, "labels": labels}


def reference(logits, labels):
    bin_boundaries = jnp.linspace(0.0, 1.0, N_BINS + 1)
    bin_lowers = bin_boundaries[:-1]
    bin_uppers = bin_boundaries[1:]

    softmaxes = jax.nn.softmax(logits, axis=1)
    confidences = jnp.max(softmaxes, axis=1)
    predictions = jnp.argmax(softmaxes, axis=1)
    accuracies = (predictions == labels).astype(jnp.float32)

    n = confidences.shape[0]
    ece = jnp.zeros((1,), dtype=jnp.float32)
    for i in range(N_BINS):
        lo = bin_lowers[i]
        hi = bin_uppers[i]
        in_bin = jnp.logical_and(confidences > lo, confidences <= hi)
        in_bin_f = in_bin.astype(jnp.float32)
        cnt = jnp.sum(in_bin_f)
        prop_in_bin = cnt / n
        safe_cnt = jnp.maximum(cnt, 1.0)
        accuracy_in_bin = jnp.sum(accuracies * in_bin_f) / safe_cnt
        avg_confidence_in_bin = jnp.sum(confidences * in_bin_f) / safe_cnt
        term = jnp.abs(avg_confidence_in_bin - accuracy_in_bin) * prop_in_bin
        ece = ece + jnp.where(cnt > 0, term, 0.0)
    return ece

if __name__ == "__main__":
    import jax
    _d = setup_inputs()
    print(jax.jit(kernel)(*tuple(_d.values())))

</pallas_src>

<mosaic_0001>
#map = affine_map<(d0, d1) -> (0)>
module attributes {stable_mosaic.version = 14 : i64} {
  func.func @hist(%arg0: i32, %arg1: i32, %arg2: memref<524288xf32, #tpu.memory_space<hbm>>, %arg3: memref<16384xf32, #tpu.memory_space<hbm>>, %arg4: memref<16384xf32, #tpu.memory_space<vmem>>, %arg5: memref<512xf32, #tpu.memory_space<vmem>>) attributes {dimension_semantics = [#tpu.dimension_semantics<core_parallel>, #tpu.dimension_semantics<subcore_parallel>], iteration_bounds = array<i64: 2, 16>, scalar_prefetch = 0 : i64, scratch_operands = 2 : i64, tpu.core_type = #tpu.core_type<sc_vector_subcore>, window_params = [{transform_indices = #map}, {transform_indices = #map}]} {
    %mul3A = arith.constant 2 : i32
    %mul3A_0 = arith.muli %arg1, %mul3A : i32
    %add3A = arith.addi %mul3A_0, %arg0 : i32
    %mul3A_1 = arith.constant 16384 : i32
    %mul3A_2 = arith.muli %add3A, %mul3A_1 : i32
    "tpu.region"() ({
      %run_scoped3A = tpu.sem_alloc : memref<!tpu.dma_semaphore, #tpu.memory_space<semaphore_mem>>
      %dma_start3A = tpu.memref_slice %arg2[%mul3A_2] : memref<524288xf32, #tpu.memory_space<hbm>> -> memref<16384xf32, #tpu.memory_space<hbm>>
      %dma_start3A_74 = tpu.memref_slice %arg2[%mul3A_2] : memref<524288xf32, #tpu.memory_space<hbm>> -> memref<16384xf32, #tpu.memory_space<hbm>>
      tpu.enqueue_dma source(%dma_start3A_74 : memref<16384xf32, #tpu.memory_space<hbm>>) target(%arg4 : memref<16384xf32, #tpu.memory_space<vmem>>) target_semaphore(%run_scoped3A : memref<!tpu.dma_semaphore, #tpu.memory_space<semaphore_mem>>)
      %dma_wait3A = tpu.memref_slice %arg2[%mul3A_2] : memref<524288xf32, #tpu.memory_space<hbm>> -> memref<16384xf32, #tpu.memory_space<hbm>>
      %dma_wait3A_75 = tpu.memref_slice %arg2[%mul3A_2] : memref<524288xf32, #tpu.memory_space<hbm>> -> memref<16384xf32, #tpu.memory_space<hbm>>
      tpu.wait_dma2 semaphore(%run_scoped3A : memref<!tpu.dma_semaphore, #tpu.memory_space<semaphore_mem>>) src(%dma_wait3A_75 : memref<16384xf32, #tpu.memory_space<hbm>>) dst(%arg4 : memref<16384xf32, #tpu.memory_space<vmem>>)
      tpu.yield
    }) : () -> ()
    %broadcast_in_dim3A = arith.constant 0.000000e+00 : f32
    %broadcast_in_dim3A_3 = vector.broadcast %broadcast_in_dim3A : f32 to vector<16xf32>
    %swap3A = arith.constant 0 : index
    %swap3A_4 = tpu.vector_load %arg5[%swap3A] {strides = array<i32>} : memref<512xf32, #tpu.memory_space<vmem>>, vector<16xf32>,
    tpu.vector_store %arg5[%swap3A], %broadcast_in_dim3A_3 {strides = array<i32>} : memref<512xf32, #tpu.memory_space<vmem>>, vector<16xf32>,
    %swap3A_5 = arith.constant 16 : index
    %swap3A_6 = tpu.vector_load %arg5[%swap3A_5] {strides = array<i32>} : memref<512xf32, #tpu.memory_space<vmem>>, vector<16xf32>,
    tpu.vector_store %arg5[%swap3A_5], %broadcast_in_dim3A_3 {strides = array<i32>} : memref<512xf32, #tpu.memory_space<vmem>>, vector<16xf32>,
    %swap3A_7 = arith.constant 32 : index
    %swap3A_8 = tpu.vector_load %arg5[%swap3A_7] {strides = array<i32>} : memref<512xf32, #tpu.memory_space<vmem>>, vector<16xf32>,
    tpu.vector_store %arg5[%swap3A_7], %broadcast_in_dim3A_3 {strides = array<i32>} : memref<512xf32, #tpu.memory_space<vmem>>, vector<16xf32>,
    %swap3A_9 = arith.constant 48 : index
    %swap3A_10 = tpu.vector_load %arg5[%swap3A_9] {strides = array<i32>} : memref<512xf32, #tpu.memory_space<vmem>>, vector<16xf32>,
    tpu.vector_store %arg5[%swap3A_9], %broadcast_in_dim3A_3 {strides = array<i32>} : memref<512xf32, #tpu.memory_space<vmem>>, vector<16xf32>,
    %swap3A_11 = arith.constant 64 : index
    %swap3A_12 = tpu.vector_load %arg5[%swap3A_11] {strides = array<i32>} : memref<512xf32, #tpu.memory_space<vmem>>, vector<16xf32>,
    tpu.vector_store %arg5[%swap3A_11], %broadcast_in_dim3A_3 {strides = array<i32>} : memref<512xf32, #tpu.memory_space<vmem>>, vector<16xf32>,
    %swap3A_13 = arith.constant 80 : index
    %swap3A_14 = tpu.vector_load %arg5[%swap3A_13] {strides = array<i32>} : memref<512xf32, #tpu.memory_space<vmem>>, vector<16xf32>,
    tpu.vector_store %arg5[%swap3A_13], %broadcast_in_dim3A_3 {strides = array<i32>} : memref<512xf32, #tpu.memory_space<vmem>>, vector<16xf32>,
    %swap3A_15 = arith.constant 96 : index
    %swap3A_16 = tpu.vector_load %arg5[%swap3A_15] {strides = array<i32>} : memref<512xf32, #tpu.memory_space<vmem>>, vector<16xf32>,
    tpu.vector_store %arg5[%swap3A_15], %broadcast_in_dim3A_3 {strides = array<i32>} : memref<512xf32, #tpu.memory_space<vmem>>, vector<16xf32>,
    %swap3A_17 = arith.constant 112 : index
    %swap3A_18 = tpu.vector_load %arg5[%swap3A_17] {strides = array<i32>} : memref<512xf32, #tpu.memory_space<vmem>>, vector<16xf32>,
    tpu.vector_store %arg5[%swap3A_17], %broadcast_in_dim3A_3 {strides = array<i32>} : memref<512xf32, #tpu.memory_space<vmem>>, vector<16xf32>,
    %swap3A_19 = arith.constant 128 : index
    %swap3A_20 = tpu.vector_load %arg5[%swap3A_19] {strides = array<i32>} : memref<512xf32, #tpu.memory_space<vmem>>, vector<16xf32>,
    tpu.vector_store %arg5[%swap3A_19], %broadcast_in_dim3A_3 {strides = array<i32>} : memref<512xf32, #tpu.memory_space<vmem>>, vector<16xf32>,
    %swap3A_21 = arith.constant 144 : index
    %swap3A_22 = tpu.vector_load %arg5[%swap3A_21] {strides = array<i32>} : memref<512xf32, #tpu.memory_space<vmem>>, vector<16xf32>,
    tpu.vector_store %arg5[%swap3A_21], %broadcast_in_dim3A_3 {strides = array<i32>} : memref<512xf32, #tpu.memory_space<vmem>>, vector<16xf32>,
    %swap3A_23 = arith.constant 160 : index
    %swap3A_24 = tpu.vector_load %arg5[%swap3A_23] {strides = array<i32>} : memref<512xf32, #tpu.memory_space<vmem>>, vector<16xf32>,
    tpu.vector_store %arg5[%swap3A_23], %broadcast_in_dim3A_3 {strides = array<i32>} : memref<512xf32, #tpu.memory_space<vmem>>, vector<16xf32>,
    %swap3A_25 = arith.constant 176 : index
    %swap3A_26 = tpu.vector_load %arg5[%swap3A_25] {strides = array<i32>} : memref<512xf32, #tpu.memory_space<vmem>>, vector<16xf32>,
    tpu.vector_store %arg5[%swap3A_25], %broadcast_in_dim3A_3 {strides = array<i32>} : memref<512xf32, #tpu.memory_space<vmem>>, vector<16xf32>,
    %swap3A_27 = arith.constant 192 : index
    %swap3A_28 = tpu.vector_load %arg5[%swap3A_27] {strides = array<i32>} : memref<512xf32, #tpu.memory_space<vmem>>, vector<16xf32>,
    tpu.vector_store %arg5[%swap3A_27], %broadcast_in_dim3A_3 {strides = array<i32>} : memref<512xf32, #tpu.memory_space<vmem>>, vector<16xf32>,
    %swap3A_29 = arith.constant 208 : index
    %swap3A_30 = tpu.vector_load %arg5[%swap3A_29] {strides = array<i32>} : memref<512xf32, #tpu.memory_space<vmem>>, vector<16xf32>,
    tpu.vector_store %arg5[%swap3A_29], %broadcast_in_dim3A_3 {strides = array<i32>} : memref<512xf32, #tpu.memory_space<vmem>>, vector<16xf32>,
    %swap3A_31 = arith.constant 224 : index
    %swap3A_32 = tpu.vector_load %arg5[%swap3A_31] {strides = array<i32>} : memref<512xf32, #tpu.memory_space<vmem>>, vector<16xf32>,
    tpu.vector_store %arg5[%swap3A_31], %broadcast_in_dim3A_3 {strides = array<i32>} : memref<512xf32, #tpu.memory_space<vmem>>, vector<16xf32>,
    %swap3A_33 = arith.constant 240 : index
    %swap3A_34 = tpu.vector_load %arg5[%swap3A_33] {strides = array<i32>} : memref<512xf32, #tpu.memory_space<vmem>>, vector<16xf32>,
    tpu.vector_store %arg5[%swap3A_33], %broadcast_in_dim3A_3 {strides = array<i32>} : memref<512xf32, #tpu.memory_space<vmem>>, vector<16xf32>,
    %swap3A_35 = arith.constant 256 : index
    %swap3A_36 = tpu.vector_load %arg5[%swap3A_35] {strides = array<i32>} : memref<512xf32, #tpu.memory_space<vmem>>, vector<16xf32>,
    tpu.vector_store %arg5[%swap3A_35], %broadcast_in_dim3A_3 {strides = array<i32>} : memref<512xf32, #tpu.memory_space<vmem>>, vector<16xf32>,
    %swap3A_37 = arith.constant 272 : index
    %swap3A_38 = tpu.vector_load %arg5[%swap3A_37] {strides = array<i32>} : memref<512xf32, #tpu.memory_space<vmem>>, vector<16xf32>,
    tpu.vector_store %arg5[%swap3A_37], %broadcast_in_dim3A_3 {strides = array<i32>} : memref<512xf32, #tpu.memory_space<vmem>>, vector<16xf32>,
    %swap3A_39 = arith.constant 288 : index
    %swap3A_40 = tpu.vector_load %arg5[%swap3A_39] {strides = array<i32>} : memref<512xf32, #tpu.memory_space<vmem>>, vector<16xf32>,
    tpu.vector_store %arg5[%swap3A_39], %broadcast_in_dim3A_3 {strides = array<i32>} : memref<512xf32, #tpu.memory_space<vmem>>, vector<16xf32>,
    %swap3A_41 = arith.constant 304 : index
    %swap3A_42 = tpu.vector_load %arg5[%swap3A_41] {strides = array<i32>} : memref<512xf32, #tpu.memory_space<vmem>>, vector<16xf32>,
    tpu.vector_store %arg5[%swap3A_41], %broadcast_in_dim3A_3 {strides = array<i32>} : memref<512xf32, #tpu.memory_space<vmem>>, vector<16xf32>,
    %swap3A_43 = arith.constant 320 : index
    %swap3A_44 = tpu.vector_load %arg5[%swap3A_43] {strides = array<i32>} : memref<512xf32, #tpu.memory_space<vmem>>, vector<16xf32>,
    tpu.vector_store %arg5[%swap3A_43], %broadcast_in_dim3A_3 {strides = array<i32>} : memref<512xf32, #tpu.memory_space<vmem>>, vector<16xf32>,
    %swap3A_45 = arith.constant 336 : index
    %swap3A_46 = tpu.vector_load %arg5[%swap3A_45] {strides = array<i32>} : memref<512xf32, #tpu.memory_space<vmem>>, vector<16xf32>,
    tpu.vector_store %arg5[%swap3A_45], %broadcast_in_dim3A_3 {strides = array<i32>} : memref<512xf32, #tpu.memory_space<vmem>>, vector<16xf32>,
    %swap3A_47 = arith.constant 352 : index
    %swap3A_48 = tpu.vector_load %arg5[%swap3A_47] {strides = array<i32>} : memref<512xf32, #tpu.memory_space<vmem>>, vector<16xf32>,
    tpu.vector_store %arg5[%swap3A_47], %broadcast_in_dim3A_3 {strides = array<i32>} : memref<512xf32, #tpu.memory_space<vmem>>, vector<16xf32>,
    %swap3A_49 = arith.constant 368 : index
    %swap3A_50 = tpu.vector_load %arg5[%swap3A_49] {strides = array<i32>} : memref<512xf32, #tpu.memory_space<vmem>>, vector<16xf32>,
    tpu.vector_store %arg5[%swap3A_49], %broadcast_in_dim3A_3 {strides = array<i32>} : memref<512xf32, #tpu.memory_space<vmem>>, vector<16xf32>,
    %swap3A_51 = arith.constant 384 : index
    %swap3A_52 = tpu.vector_load %arg5[%swap3A_51] {strides = array<i32>} : memref<512xf32, #tpu.memory_space<vmem>>, vector<16xf32>,
    tpu.vector_store %arg5[%swap3A_51], %broadcast_in_dim3A_3 {strides = array<i32>} : memref<512xf32, #tpu.memory_space<vmem>>, vector<16xf32>,
    %swap3A_53 = arith.constant 400 : index
    %swap3A_54 = tpu.vector_load %arg5[%swap3A_53] {strides = array<i32>} : memref<512xf32, #tpu.memory_space<vmem>>, vector<16xf32>,
    tpu.vector_store %arg5[%swap3A_53], %broadcast_in_dim3A_3 {strides = array<i32>} : memref<512xf32, #tpu.memory_space<vmem>>, vector<16xf32>,
    %swap3A_55 = arith.constant 416 : index
    %swap3A_56 = tpu.vector_load %arg5[%swap3A_55] {strides = array<i32>} : memref<512xf32, #tpu.memory_space<vmem>>, vector<16xf32>,
    tpu.vector_store %arg5[%swap3A_55], %broadcast_in_dim3A_3 {strides = array<i32>} : memref<512xf32, #tpu.memory_space<vmem>>, vector<16xf32>,
    %swap3A_57 = arith.constant 432 : index
    %swap3A_58 = tpu.vector_load %arg5[%swap3A_57] {strides = array<i32>} : memref<512xf32, #tpu.memory_space<vmem>>, vector<16xf32>,
    tpu.vector_store %arg5[%swap3A_57], %broadcast_in_dim3A_3 {strides = array<i32>} : memref<512xf32, #tpu.memory_space<vmem>>, vector<16xf32>,
    %swap3A_59 = arith.constant 448 : index
    %swap3A_60 = tpu.vector_load %arg5[%swap3A_59] {strides = array<i32>} : memref<512xf32, #tpu.memory_space<vmem>>, vector<16xf32>,
    tpu.vector_store %arg5[%swap3A_59], %broadcast_in_dim3A_3 {strides = array<i32>} : memref<512xf32, #tpu.memory_space<vmem>>, vector<16xf32>,
    %swap3A_61 = arith.constant 464 : index
    %swap3A_62 = tpu.vector_load %arg5[%swap3A_61] {strides = array<i32>} : memref<512xf32, #tpu.memory_space<vmem>>, vector<16xf32>,
    tpu.vector_store %arg5[%swap3A_61], %broadcast_in_dim3A_3 {strides = array<i32>} : memref<512xf32, #tpu.memory_space<vmem>>, vector<16xf32>,
    %swap3A_63 = arith.constant 480 : index
    %swap3A_64 = tpu.vector_load %arg5[%swap3A_63] {strides = array<i32>} : memref<512xf32, #tpu.memory_space<vmem>>, vector<16xf32>,
    tpu.vector_store %arg5[%swap3A_63], %broadcast_in_dim3A_3 {strides = array<i32>} : memref<512xf32, #tpu.memory_space<vmem>>, vector<16xf32>,
    %swap3A_65 = arith.constant 496 : index
    %swap3A_66 = tpu.vector_load %arg5[%swap3A_65] {strides = array<i32>} : memref<512xf32, #tpu.memory_space<vmem>>, vector<16xf32>,
    tpu.vector_store %arg5[%swap3A_65], %broadcast_in_dim3A_3 {strides = array<i32>} : memref<512xf32, #tpu.memory_space<vmem>>, vector<16xf32>,
    %iota3A = tpu.iota {dimensions = array<i32: 0>} : vector<16xi32>
    %scan3A = arith.constant 0 : i32
    %scan3A_67 = arith.constant 0 : i32
    %scan3A_68 = arith.constant 256 : i32
    %scan3A_69 = arith.addi %scan3A_67, %scan3A_68 : i32
    %scan3A_70 = arith.constant 1 : i32
    scf.for %scan3A_74 = %scan3A_67 to %scan3A_69 step %scan3A_70  : i32 {
      %mul3A_75 = arith.constant 64 : i32
      %mul3A_76 = arith.muli %scan3A_74, %mul3A_75 : i32
      %add3A_77 = arith.constant 0 : i32
      %add3A_78 = arith.addi %mul3A_76, %add3A_77 : i32
      %get3A = arith.index_cast %add3A_78 : i32 to index
      %get3A_79 = tpu.vector_load %arg4[%get3A] {strides = array<i32>} : memref<16384xf32, #tpu.memory_space<vmem>>, vector<16xf32>,
      %abs3A = math.absf %get3A_79 : vector<16xf32>
      %lt3A = arith.constant 0.000000e+00 : f32
      %lt3A_80 = vector.broadcast %lt3A : f32 to vector<16xf32>
      %lt3A_81 = arith.cmpf olt, %get3A_79, %lt3A_80 : vector<16xf32>
      %jit3A = arith.constant 4.097000e+03 : f32
      %jit3A_82 = arith.constant 1.000000e+00 : f32
      %broadcast_in_dim3A_83 = vector.broadcast %jit3A : f32 to vector<16xf32>
      %broadcast_in_dim3A_84 = vector.broadcast %jit3A_82 : f32 to vector<16xf32>
      %select_n3A = arith.select %lt3A_81, %broadcast_in_dim3A_83, %broadcast_in_dim3A_84 : vector<16xi1>, vector<16xf32>
      %mul3A_85 = arith.constant 1.500000e+01 : f32
      %mul3A_86 = vector.broadcast %mul3A_85 : f32 to vector<16xf32>
      %mul3A_87 = arith.mulf %abs3A, %mul3A_86 : vector<16xf32>
      %convert_element_type3A = arith.fptosi %mul3A_87 : vector<16xf32> to vector<16xi32>
      %min3A = arith.constant 14 : i32
      %min3A_88 = vector.broadcast %min3A : i32 to vector<16xi32>
      %min3A_89 = arith.minsi %convert_element_type3A, %min3A_88 : vector<16xi32>
      %mul3A_90 = arith.constant 16 : i32
      %mul3A_91 = vector.broadcast %mul3A_90 : i32 to vector<16xi32>
      %mul3A_92 = arith.muli %min3A_89, %mul3A_91 : vector<16xi32>
      %add3A_93 = arith.addi %mul3A_92, %iota3A : vector<16xi32>
      tpu.vector_store_idx %arg5[%add3A_93], %select_n3A {add = true} : memref<512xf32, #tpu.memory_space<vmem>>[vector<16xi32>], vector<16xf32>,
      %add3A_94 = arith.constant 256 : i32
      %add3A_95 = vector.broadcast %add3A_94 : i32 to vector<16xi32>
      %add3A_96 = arith.addi %add3A_93, %add3A_95 : vector<16xi32>
      tpu.vector_store_idx %arg5[%add3A_96], %abs3A {add = true} : memref<512xf32, #tpu.memory_space<vmem>>[vector<16xi32>], vector<16xf32>,
      %mul3A_97 = arith.constant 64 : i32
      %mul3A_98 = arith.muli %scan3A_74, %mul3A_97 : i32
      %add3A_99 = arith.constant 16 : i32
      %add3A_100 = arith.addi %mul3A_98, %add3A_99 : i32
      %get3A_101 = arith.index_cast %add3A_100 : i32 to index
      %get3A_102 = tpu.vector_load %arg4[%get3A_101] {strides = array<i32>} : memref<16384xf32, #tpu.memory_space<vmem>>, vector<16xf32>,
      %abs3A_103 = math.absf %get3A_102 : vector<16xf32>
      %lt3A_104 = arith.constant 0.000000e+00 : f32
      %lt3A_105 = vector.broadcast %lt3A_104 : f32 to vector<16xf32>
      %lt3A_106 = arith.cmpf olt, %get3A_102, %lt3A_105 : vector<16xf32>
      %jit3A_107 = arith.constant 4.097000e+03 : f32
      %jit3A_108 = arith.constant 1.000000e+00 : f32
      %broadcast_in_dim3A_109 = vector.broadcast %jit3A_107 : f32 to vector<16xf32>
      %broadcast_in_dim3A_110 = vector.broadcast %jit3A_108 : f32 to vector<16xf32>
      %select_n3A_111 = arith.select %lt3A_106, %broadcast_in_dim3A_109, %broadcast_in_dim3A_110 : vector<16xi1>, vector<16xf32>
      %mul3A_112 = arith.constant 1.500000e+01 : f32
      %mul3A_113 = vector.broadcast %mul3A_112 : f32 to vector<16xf32>
      %mul3A_114 = arith.mulf %abs3A_103, %mul3A_113 : vector<16xf32>
      %convert_element_type3A_115 = arith.fptosi %mul3A_114 : vector<16xf32> to vector<16xi32>
      %min3A_116 = arith.constant 14 : i32
      %min3A_117 = vector.broadcast %min3A_116 : i32 to vector<16xi32>
      %min3A_118 = arith.minsi %convert_element_type3A_115, %min3A_117 : vector<16xi32>
      %mul3A_119 = arith.constant 16 : i32
      %mul3A_120 = vector.broadcast %mul3A_119 : i32 to vector<16xi32>
      %mul3A_121 = arith.muli %min3A_118, %mul3A_120 : vector<16xi32>
      %add3A_122 = arith.addi %mul3A_121, %iota3A : vector<16xi32>
      tpu.vector_store_idx %arg5[%add3A_122], %select_n3A_111 {add = true} : memref<512xf32, #tpu.memory_space<vmem>>[vector<16xi32>], vector<16xf32>,
      %add3A_123 = arith.constant 256 : i32
      %add3A_124 = vector.broadcast %add3A_123 : i32 to vector<16xi32>
      %add3A_125 = arith.addi %add3A_122, %add3A_124 : vector<16xi32>
      tpu.vector_store_idx %arg5[%add3A_125], %abs3A_103 {add = true} : memref<512xf32, #tpu.memory_space<vmem>>[vector<16xi32>], vector<16xf32>,
      %mul3A_126 = arith.constant 64 : i32
      %mul3A_127 = arith.muli %scan3A_74, %mul3A_126 : i32
      %add3A_128 = arith.constant 32 : i32
      %add3A_129 = arith.addi %mul3A_127, %add3A_128 : i32
      %get3A_130 = arith.index_cast %add3A_129 : i32 to index
      %get3A_131 = tpu.vector_load %arg4[%get3A_130] {strides = array<i32>} : memref<16384xf32, #tpu.memory_space<vmem>>, vector<16xf32>,
      %abs3A_132 = math.absf %get3A_131 : vector<16xf32>
      %lt3A_133 = arith.constant 0.000000e+00 : f32
      %lt3A_134 = vector.broadcast %lt3A_133 : f32 to vector<16xf32>
      %lt3A_135 = arith.cmpf olt, %get3A_131, %lt3A_134 : vector<16xf32>
      %jit3A_136 = arith.constant 4.097000e+03 : f32
      %jit3A_137 = arith.constant 1.000000e+00 : f32
      %broadcast_in_dim3A_138 = vector.broadcast %jit3A_136 : f32 to vector<16xf32>
      %broadcast_in_dim3A_139 = vector.broadcast %jit3A_137 : f32 to vector<16xf32>
      %select_n3A_140 = arith.select %lt3A_135, %broadcast_in_dim3A_138, %broadcast_in_dim3A_139 : vector<16xi1>, vector<16xf32>
      %mul3A_141 = arith.constant 1.500000e+01 : f32
      %mul3A_142 = vector.broadcast %mul3A_141 : f32 to vector<16xf32>
      %mul3A_143 = arith.mulf %abs3A_132, %mul3A_142 : vector<16xf32>
      %convert_element_type3A_144 = arith.fptosi %mul3A_143 : vector<16xf32> to vector<16xi32>
      %min3A_145 = arith.constant 14 : i32
      %min3A_146 = vector.broadcast %min3A_145 : i32 to vector<16xi32>
      %min3A_147 = arith.minsi %convert_element_type3A_144, %min3A_146 : vector<16xi32>
      %mul3A_148 = arith.constant 16 : i32
      %mul3A_149 = vector.broadcast %mul3A_148 : i32 to vector<16xi32>
      %mul3A_150 = arith.muli %min3A_147, %mul3A_149 : vector<16xi32>
      %add3A_151 = arith.addi %mul3A_150, %iota3A : vector<16xi32>
      tpu.vector_store_idx %arg5[%add3A_151], %select_n3A_140 {add = true} : memref<512xf32, #tpu.memory_space<vmem>>[vector<16xi32>], vector<16xf32>,
      %add3A_152 = arith.constant 256 : i32
      %add3A_153 = vector.broadcast %add3A_152 : i32 to vector<16xi32>
      %add3A_154 = arith.addi %add3A_151, %add3A_153 : vector<16xi32>
      tpu.vector_store_idx %arg5[%add3A_154], %abs3A_132 {add = true} : memref<512xf32, #tpu.memory_space<vmem>>[vector<16xi32>], vector<16xf32>,
      %mul3A_155 = arith.constant 64 : i32
      %mul3A_156 = arith.muli %scan3A_74, %mul3A_155 : i32
      %add3A_157 = arith.constant 48 : i32
      %add3A_158 = arith.addi %mul3A_156, %add3A_157 : i32
      %get3A_159 = arith.index_cast %add3A_158 : i32 to index
      %get3A_160 = tpu.vector_load %arg4[%get3A_159] {strides = array<i32>} : memref<16384xf32, #tpu.memory_space<vmem>>, vector<16xf32>,
      %abs3A_161 = math.absf %get3A_160 : vector<16xf32>
      %lt3A_162 = arith.constant 0.000000e+00 : f32
      %lt3A_163 = vector.broadcast %lt3A_162 : f32 to vector<16xf32>
      %lt3A_164 = arith.cmpf olt, %get3A_160, %lt3A_163 : vector<16xf32>
      %jit3A_165 = arith.constant 4.097000e+03 : f32
      %jit3A_166 = arith.constant 1.000000e+00 : f32
      %broadcast_in_dim3A_167 = vector.broadcast %jit3A_165 : f32 to vector<16xf32>
      %broadcast_in_dim3A_168 = vector.broadcast %jit3A_166 : f32 to vector<16xf32>
      %select_n3A_169 = arith.select %lt3A_164, %broadcast_in_dim3A_167, %broadcast_in_dim3A_168 : vector<16xi1>, vector<16xf32>
      %mul3A_170 = arith.constant 1.500000e+01 : f32
      %mul3A_171 = vector.broadcast %mul3A_170 : f32 to vector<16xf32>
      %mul3A_172 = arith.mulf %abs3A_161, %mul3A_171 : vector<16xf32>
      %convert_element_type3A_173 = arith.fptosi %mul3A_172 : vector<16xf32> to vector<16xi32>
      %min3A_174 = arith.constant 14 : i32
      %min3A_175 = vector.broadcast %min3A_174 : i32 to vector<16xi32>
      %min3A_176 = arith.minsi %convert_element_type3A_173, %min3A_175 : vector<16xi32>
      %mul3A_177 = arith.constant 16 : i32
      %mul3A_178 = vector.broadcast %mul3A_177 : i32 to vector<16xi32>
      %mul3A_179 = arith.muli %min3A_176, %mul3A_178 : vector<16xi32>
      %add3A_180 = arith.addi %mul3A_179, %iota3A : vector<16xi32>
      tpu.vector_store_idx %arg5[%add3A_180], %select_n3A_169 {add = true} : memref<512xf32, #tpu.memory_space<vmem>>[vector<16xi32>], vector<16xf32>,
      %add3A_181 = arith.constant 256 : i32
      %add3A_182 = vector.broadcast %add3A_181 : i32 to vector<16xi32>
      %add3A_183 = arith.addi %add3A_180, %add3A_182 : vector<16xi32>
      tpu.vector_store_idx %arg5[%add3A_183], %abs3A_161 {add = true} : memref<512xf32, #tpu.memory_space<vmem>>[vector<16xi32>], vector<16xf32>,
    }
    %scan3A_71 = arith.constant 256 : i32
    %mul3A_72 = arith.constant 512 : i32
    %mul3A_73 = arith.muli %add3A, %mul3A_72 : i32
    "tpu.region"() ({
      %run_scoped3A = tpu.sem_alloc : memref<!tpu.dma_semaphore, #tpu.memory_space<semaphore_mem>>
      %dma_start3A = tpu.memref_slice %arg3[%mul3A_73] : memref<16384xf32, #tpu.memory_space<hbm>> -> memref<512xf32, #tpu.memory_space<hbm>>
      %dma_start3A_74 = tpu.memref_slice %arg3[%mul3A_73] : memref<16384xf32, #tpu.memory_space<hbm>> -> memref<512xf32, #tpu.memory_space<hbm>>
      tpu.enqueue_dma source(%arg5 : memref<512xf32, #tpu.memory_space<vmem>>) target(%dma_start3A_74 : memref<512xf32, #tpu.memory_space<hbm>>) target_semaphore(%run_scoped3A : memref<!tpu.dma_semaphore, #tpu.memory_space<semaphore_mem>>)
      %dma_wait3A = tpu.memref_slice %arg3[%mul3A_73] : memref<16384xf32, #tpu.memory_space<hbm>> -> memref<512xf32, #tpu.memory_space<hbm>>
      %dma_wait3A_75 = tpu.memref_slice %arg3[%mul3A_73] : memref<16384xf32, #tpu.memory_space<hbm>> -> memref<512xf32, #tpu.memory_space<hbm>>
      tpu.wait_dma2 semaphore(%run_scoped3A : memref<!tpu.dma_semaphore, #tpu.memory_space<semaphore_mem>>) src(%arg5 : memref<512xf32, #tpu.memory_space<vmem>>) dst(%dma_wait3A_75 : memref<512xf32, #tpu.memory_space<hbm>>)
      tpu.yield
    }) : () -> ()
    return
  }
}

#map = affine_map<(d0, d1) -> (0)>
module attributes {stable_mosaic.version = 14 : i64} {
  func.func @hist(%arg0: i32, %arg1: i32, %arg2: memref<524288xf32, #tpu.memory_space<hbm>>, %arg3: memref<16384xf32, #tpu.memory_space<hbm>>, %arg4: memref<16384xf32, #tpu.memory_space<vmem>>, %arg5: memref<512xf32, #tpu.memory_space<vmem>>) attributes {dimension_semantics = [#tpu.dimension_semantics<core_parallel>, #tpu.dimension_semantics<subcore_parallel>], iteration_bounds = array<i64: 2, 16>, scalar_prefetch = 0 : i64, scratch_operands = 2 : i64, tpu.core_type = #tpu.core_type<sc_vector_subcore>, window_params = [{transform_indices = #map}, {transform_indices = #map}]} {
    %mul3A = arith.constant 2 : i32
    %mul3A_0 = arith.muli %arg1, %mul3A : i32
    %add3A = arith.addi %mul3A_0, %arg0 : i32
    %mul3A_1 = arith.constant 16384 : i32
    %mul3A_2 = arith.muli %add3A, %mul3A_1 : i32
    "tpu.region"() ({
      %run_scoped3A = tpu.sem_alloc : memref<!tpu.dma_semaphore, #tpu.memory_space<semaphore_mem>>
      %dma_start3A = tpu.memref_slice %arg2[%mul3A_2] : memref<524288xf32, #tpu.memory_space<hbm>> -> memref<16384xf32, #tpu.memory_space<hbm>>
      %dma_start3A_74 = tpu.memref_slice %arg2[%mul3A_2] : memref<524288xf32, #tpu.memory_space<hbm>> -> memref<16384xf32, #tpu.memory_space<hbm>>
      tpu.enqueue_dma source(%dma_start3A_74 : memref<16384xf32, #tpu.memory_space<hbm>>) target(%arg4 : memref<16384xf32, #tpu.memory_space<vmem>>) target_semaphore(%run_scoped3A : memref<!tpu.dma_semaphore, #tpu.memory_space<semaphore_mem>>)
      %dma_wait3A = tpu.memref_slice %arg2[%mul3A_2] : memref<524288xf32, #tpu.memory_space<hbm>> -> memref<16384xf32, #tpu.memory_space<hbm>>
      %dma_wait3A_75 = tpu.memref_slice %arg2[%mul3A_2] : memref<524288xf32, #tpu.memory_space<hbm>> -> memref<16384xf32, #tpu.memory_space<hbm>>
      tpu.wait_dma2 semaphore(%run_scoped3A : memref<!tpu.dma_semaphore, #tpu.memory_space<semaphore_mem>>) src(%dma_wait3A_75 : memref<16384xf32, #tpu.memory_space<hbm>>) dst(%arg4 : memref<16384xf32, #tpu.memory_space<vmem>>)
      tpu.yield
    }) : () -> ()
    %broadcast_in_dim3A = arith.constant 0.000000e+00 : f32
    %broadcast_in_dim3A_3 = vector.broadcast %broadcast_in_dim3A : f32 to vector<16xf32>
    %swap3A = arith.constant 0 : index
    %swap3A_4 = tpu.vector_load %arg5[%swap3A] {strides = array<i32>} : memref<512xf32, #tpu.memory_space<vmem>>, vector<16xf32>,
    tpu.vector_store %arg5[%swap3A], %broadcast_in_dim3A_3 {strides = array<i32>} : memref<512xf32, #tpu.memory_space<vmem>>, vector<16xf32>,
    %swap3A_5 = arith.constant 16 : index
    %swap3A_6 = tpu.vector_load %arg5[%swap3A_5] {strides = array<i32>} : memref<512xf32, #tpu.memory_space<vmem>>, vector<16xf32>,
    tpu.vector_store %arg5[%swap3A_5], %broadcast_in_dim3A_3 {strides = array<i32>} : memref<512xf32, #tpu.memory_space<vmem>>, vector<16xf32>,
    %swap3A_7 = arith.constant 32 : index
    %swap3A_8 = tpu.vector_load %arg5[%swap3A_7] {strides = array<i32>} : memref<512xf32, #tpu.memory_space<vmem>>, vector<16xf32>,
    tpu.vector_store %arg5[%swap3A_7], %broadcast_in_dim3A_3 {strides = array<i32>} : memref<512xf32, #tpu.memory_space<vmem>>, vector<16xf32>,
    %swap3A_9 = arith.constant 48 : index
    %swap3A_10 = tpu.vector_load %arg5[%swap3A_9] {strides = array<i32>} : memref<512xf32, #tpu.memory_space<vmem>>, vector<16xf32>,
    tpu.vector_store %arg5[%swap3A_9], %broadcast_in_dim3A_3 {strides = array<i32>} : memref<512xf32, #tpu.memory_space<vmem>>, vector<16xf32>,
    %swap3A_11 = arith.constant 64 : index
    %swap3A_12 = tpu.vector_load %arg5[%swap3A_11] {strides = array<i32>} : memref<512xf32, #tpu.memory_space<vmem>>, vector<16xf32>,
    tpu.vector_store %arg5[%swap3A_11], %broadcast_in_dim3A_3 {strides = array<i32>} : memref<512xf32, #tpu.memory_space<vmem>>, vector<16xf32>,
    %swap3A_13 = arith.constant 80 : index
    %swap3A_14 = tpu.vector_load %arg5[%swap3A_13] {strides = array<i32>} : memref<512xf32, #tpu.memory_space<vmem>>, vector<16xf32>,
    tpu.vector_store %arg5[%swap3A_13], %broadcast_in_dim3A_3 {strides = array<i32>} : memref<512xf32, #tpu.memory_space<vmem>>, vector<16xf32>,
    %swap3A_15 = arith.constant 96 : index
    %swap3A_16 = tpu.vector_load %arg5[%swap3A_15] {strides = array<i32>} : memref<512xf32, #tpu.memory_space<vmem>>, vector<16xf32>,
    tpu.vector_store %arg5[%swap3A_15], %broadcast_in_dim3A_3 {strides = array<i32>} : memref<512xf32, #tpu.memory_space<vmem>>, vector<16xf32>,
    %swap3A_17 = arith.constant 112 : index
    %swap3A_18 = tpu.vector_load %arg5[%swap3A_17] {strides = array<i32>} : memref<512xf32, #tpu.memory_space<vmem>>, vector<16xf32>,
    tpu.vector_store %arg5[%swap3A_17], %broadcast_in_dim3A_3 {strides = array<i32>} : memref<512xf32, #tpu.memory_space<vmem>>, vector<16xf32>,
    %swap3A_19 = arith.constant 128 : index
    %swap3A_20 = tpu.vector_load %arg5[%swap3A_19] {strides = array<i32>} : memref<512xf32, #tpu.memory_space<vmem>>, vector<16xf32>,
    tpu.vector_store %arg5[%swap3A_19], %broadcast_in_dim3A_3 {strides = array<i32>} : memref<512xf32, #tpu.memory_space<vmem>>, vector<16xf32>,
    %swap3A_21 = arith.constant 144 : index
    %swap3A_22 = tpu.vector_load %arg5[%swap3A_21] {strides = array<i32>} : memref<512xf32, #tpu.memory_space<vmem>>, vector<16xf32>,
    tpu.vector_store %arg5[%swap3A_21], %broadcast_in_dim3A_3 {strides = array<i32>} : memref<512xf32, #tpu.memory_space<vmem>>, vector<16xf32>,
    %swap3A_23 = arith.constant 160 : index
    %swap3A_24 = tpu.vector_load %arg5[%swap3A_23] {strides = array<i32>} : memref<512xf32, #tpu.memory_space<vmem>>, vector<16xf32>,
    tpu.vector_store %arg5[%swap3A_23], %broadcast_in_dim3A_3 {strides = array<i32>} : memref<512xf32, #tpu.memory_space<vmem>>, vector<16xf32>,
    %swap3A_25 = arith.constant 176 : index
    %swap3A_26 = tpu.vector_load %arg5[%swap3A_25] {strides = array<i32>} : memref<512xf32, #tpu.memory_space<vmem>>, vector<16xf32>,
    tpu.vector_store %arg5[%swap3A_25], %broadcast_in_dim3A_3 {strides = array<i32>} : memref<512xf32, #tpu.memory_space<vmem>>, vector<16xf32>,
    %swap3A_27 = arith.constant 192 : index
    %swap3A_28 = tpu.vector_load %arg5[%swap3A_27] {strides = array<i32>} : memref<512xf32, #tpu.memory_space<vmem>>, vector<16xf32>,
    tpu.vector_store %arg5[%swap3A_27], %broadcast_in_dim3A_3 {strides = array<i32>} : memref<512xf32, #tpu.memory_space<vmem>>, vector<16xf32>,
    %swap3A_29 = arith.constant 208 : index
    %swap3A_30 = tpu.vector_load %arg5[%swap3A_29] {strides = array<i32>} : memref<512xf32, #tpu.memory_space<vmem>>, vector<16xf32>,
    tpu.vector_store %arg5[%swap3A_29], %broadcast_in_dim3A_3 {strides = array<i32>} : memref<512xf32, #tpu.memory_space<vmem>>, vector<16xf32>,
    %swap3A_31 = arith.constant 224 : index
    %swap3A_32 = tpu.vector_load %arg5[%swap3A_31] {strides = array<i32>} : memref<512xf32, #tpu.memory_space<vmem>>, vector<16xf32>,
    tpu.vector_store %arg5[%swap3A_31], %broadcast_in_dim3A_3 {strides = array<i32>} : memref<512xf32, #tpu.memory_space<vmem>>, vector<16xf32>,
    %swap3A_33 = arith.constant 240 : index
    %swap3A_34 = tpu.vector_load %arg5[%swap3A_33] {strides = array<i32>} : memref<512xf32, #tpu.memory_space<vmem>>, vector<16xf32>,
    tpu.vector_store %arg5[%swap3A_33], %broadcast_in_dim3A_3 {strides = array<i32>} : memref<512xf32, #tpu.memory_space<vmem>>, vector<16xf32>,
    %swap3A_35 = arith.constant 256 : index
    %swap3A_36 = tpu.vector_load %arg5[%swap3A_35] {strides = array<i32>} : memref<512xf32, #tpu.memory_space<vmem>>, vector<16xf32>,
    tpu.vector_store %arg5[%swap3A_35], %broadcast_in_dim3A_3 {strides = array<i32>} : memref<512xf32, #tpu.memory_space<vmem>>, vector<16xf32>,
    %swap3A_37 = arith.constant 272 : index
    %swap3A_38 = tpu.vector_load %arg5[%swap3A_37] {strides = array<i32>} : memref<512xf32, #tpu.memory_space<vmem>>, vector<16xf32>,
    tpu.vector_store %arg5[%swap3A_37], %broadcast_in_dim3A_3 {strides = array<i32>} : memref<512xf32, #tpu.memory_space<vmem>>, vector<16xf32>,
    %swap3A_39 = arith.constant 288 : index
    %swap3A_40 = tpu.vector_load %arg5[%swap3A_39] {strides = array<i32>} : memref<512xf32, #tpu.memory_space<vmem>>, vector<16xf32>,
    tpu.vector_store %arg5[%swap3A_39], %broadcast_in_dim3A_3 {strides = array<i32>} : memref<512xf32, #tpu.memory_space<vmem>>, vector<16xf32>,
    %swap3A_41 = arith.constant 304 : index
    %swap3A_42 = tpu.vector_load %arg5[%swap3A_41] {strides = array<i32>} : memref<512xf32, #tpu.memory_space<vmem>>, vector<16xf32>,
    tpu.vector_store %arg5[%swap3A_41], %broadcast_in_dim3A_3 {strides = array<i32>} : memref<512xf32, #tpu.memory_space<vmem>>, vector<16xf32>,
    %swap3A_43 = arith.constant 320 : index
    %swap3A_44 = tpu.vector_load %arg5[%swap3A_43] {strides = array<i32>} : memref<512xf32, #tpu.memory_space<vmem>>, vector<16xf32>,
    tpu.vector_store %arg5[%swap3A_43], %broadcast_in_dim3A_3 {strides = array<i32>} : memref<512xf32, #tpu.memory_space<vmem>>, vector<16xf32>,
    %swap3A_45 = arith.constant 336 : index
    %swap3A_46 = tpu.vector_load %arg5[%swap3A_45] {strides = array<i32>} : memref<512xf32, #tpu.memory_space<vmem>>, vector<16xf32>,
    tpu.vector_store %arg5[%swap3A_45], %broadcast_in_dim3A_3 {strides = array<i32>} : memref<512xf32, #tpu.memory_space<vmem>>, vector<16xf32>,
    %swap3A_47 = arith.constant 352 : index
    %swap3A_48 = tpu.vector_load %arg5[%swap3A_47] {strides = array<i32>} : memref<512xf32, #tpu.memory_space<vmem>>, vector<16xf32>,
    tpu.vector_store %arg5[%swap3A_47], %broadcast_in_dim3A_3 {strides = array<i32>} : memref<512xf32, #tpu.memory_space<vmem>>, vector<16xf32>,
    %swap3A_49 = arith.constant 368 : index
    %swap3A_50 = tpu.vector_load %arg5[%swap3A_49] {strides = array<i32>} : memref<512xf32, #tpu.memory_space<vmem>>, vector<16xf32>,
    tpu.vector_store %arg5[%swap3A_49], %broadcast_in_dim3A_3 {strides = array<i32>} : memref<512xf32, #tpu.memory_space<vmem>>, vector<16xf32>,
    %swap3A_51 = arith.constant 384 : index
    %swap3A_52 = tpu.vector_load %arg5[%swap3A_51] {strides = array<i32>} : memref<512xf32, #tpu.memory_space<vmem>>, vector<16xf32>,
    tpu.vector_store %arg5[%swap3A_51], %broadcast_in_dim3A_3 {strides = array<i32>} : memref<512xf32, #tpu.memory_space<vmem>>, vector<16xf32>,
    %swap3A_53 = arith.constant 400 : index
    %swap3A_54 = tpu.vector_load %arg5[%swap3A_53] {strides = array<i32>} : memref<512xf32, #tpu.memory_space<vmem>>, vector<16xf32>,
    tpu.vector_store %arg5[%swap3A_53], %broadcast_in_dim3A_3 {strides = array<i32>} : memref<512xf32, #tpu.memory_space<vmem>>, vector<16xf32>,
    %swap3A_55 = arith.constant 416 : index
    %swap3A_56 = tpu.vector_load %arg5[%swap3A_55] {strides = array<i32>} : memref<512xf32, #tpu.memory_space<vmem>>, vector<16xf32>,
    tpu.vector_store %arg5[%swap3A_55], %broadcast_in_dim3A_3 {strides = array<i32>} : memref<512xf32, #tpu.memory_space<vmem>>, vector<16xf32>,
    %swap3A_57 = arith.constant 432 : index
    %swap3A_58 = tpu.vector_load %arg5[%swap3A_57] {strides = array<i32>} : memref<512xf32, #tpu.memory_space<vmem>>, vector<16xf32>,
    tpu.vector_store %arg5[%swap3A_57], %broadcast_in_dim3A_3 {strides = array<i32>} : memref<512xf32, #tpu.memory_space<vmem>>, vector<16xf32>,
    %swap3A_59 = arith.constant 448 : index
    %swap3A_60 = tpu.vector_load %arg5[%swap3A_59] {strides = array<i32>} : memref<512xf32, #tpu.memory_space<vmem>>, vector<16xf32>,
    tpu.vector_store %arg5[%swap3A_59], %broadcast_in_dim3A_3 {strides = array<i32>} : memref<512xf32, #tpu.memory_space<vmem>>, vector<16xf32>,
    %swap3A_61 = arith.constant 464 : index
    %swap3A_62 = tpu.vector_load %arg5[%swap3A_61] {strides = array<i32>} : memref<512xf32, #tpu.memory_space<vmem>>, vector<16xf32>,
    tpu.vector_store %arg5[%swap3A_61], %broadcast_in_dim3A_3 {strides = array<i32>} : memref<512xf32, #tpu.memory_space<vmem>>, vector<16xf32>,
    %swap3A_63 = arith.constant 480 : index
    %swap3A_64 = tpu.vector_load %arg5[%swap3A_63] {strides = array<i32>} : memref<512xf32, #tpu.memory_space<vmem>>, vector<16xf32>,
    tpu.vector_store %arg5[%swap3A_63], %broadcast_in_dim3A_3 {strides = array<i32>} : memref<512xf32, #tpu.memory_space<vmem>>, vector<16xf32>,
    %swap3A_65 = arith.constant 496 : index
    %swap3A_66 = tpu.vector_load %arg5[%swap3A_65] {strides = array<i32>} : memref<512xf32, #tpu.memory_space<vmem>>, vector<16xf32>,
    tpu.vector_store %arg5[%swap3A_65], %broadcast_in_dim3A_3 {strides = array<i32>} : memref<512xf32, #tpu.memory_space<vmem>>, vector<16xf32>,
    %iota3A = tpu.iota {dimensions = array<i32: 0>} : vector<16xi32>
    %scan3A = arith.constant 0 : i32
    %scan3A_67 = arith.constant 0 : i32
    %scan3A_68 = arith.constant 256 : i32
    %scan3A_69 = arith.addi %scan3A_67, %scan3A_68 : i32
    %scan3A_70 = arith.constant 1 : i32
    scf.for %scan3A_74 = %scan3A_67 to %scan3A_69 step %scan3A_70  : i32 {
      %mul3A_75 = arith.constant 64 : i32
      %mul3A_76 = arith.muli %scan3A_74, %mul3A_75 : i32
      %add3A_77 = arith.constant 0 : i32
      %add3A_78 = arith.addi %mul3A_76, %add3A_77 : i32
      %get3A = arith.index_cast %add3A_78 : i32 to index
      %get3A_79 = tpu.vector_load %arg4[%get3A] {strides = array<i32>} : memref<16384xf32, #tpu.memory_space<vmem>>, vector<16xf32>,
      %abs3A = math.absf %get3A_79 : vector<16xf32>
      %lt3A = arith.constant 0.000000e+00 : f32
      %lt3A_80 = vector.broadcast %lt3A : f32 to vector<16xf32>
      %lt3A_81 = arith.cmpf olt, %get3A_79, %lt3A_80 : vector<16xf32>
      %jit3A = arith.constant 4.097000e+03 : f32
      %jit3A_82 = arith.constant 1.000000e+00 : f32
      %broadcast_in_dim3A_83 = vector.broadcast %jit3A : f32 to vector<16xf32>
      %broadcast_in_dim3A_84 = vector.broadcast %jit3A_82 : f32 to vector<16xf32>
      %select_n3A = arith.select %lt3A_81, %broadcast_in_dim3A_83, %broadcast_in_dim3A_84 : vector<16xi1>, vector<16xf32>
      %mul3A_85 = arith.constant 1.500000e+01 : f32
      %mul3A_86 = vector.broadcast %mul3A_85 : f32 to vector<16xf32>
      %mul3A_87 = arith.mulf %abs3A, %mul3A_86 : vector<16xf32>
      %convert_element_type3A = arith.fptosi %mul3A_87 : vector<16xf32> to vector<16xi32>
      %min3A = arith.constant 14 : i32
      %min3A_88 = vector.broadcast %min3A : i32 to vector<16xi32>
      %min3A_89 = arith.minsi %convert_element_type3A, %min3A_88 : vector<16xi32>
      %mul3A_90 = arith.constant 16 : i32
      %mul3A_91 = vector.broadcast %mul3A_90 : i32 to vector<16xi32>
      %mul3A_92 = arith.muli %min3A_89, %mul3A_91 : vector<16xi32>
      %add3A_93 = arith.addi %mul3A_92, %iota3A : vector<16xi32>
      tpu.vector_store_idx %arg5[%add3A_93], %select_n3A {add = true} : memref<512xf32, #tpu.memory_space<vmem>>[vector<16xi32>], vector<16xf32>,
      %add3A_94 = arith.constant 256 : i32
      %add3A_95 = vector.broadcast %add3A_94 : i32 to vector<16xi32>
      %add3A_96 = arith.addi %add3A_93, %add3A_95 : vector<16xi32>
      tpu.vector_store_idx %arg5[%add3A_96], %abs3A {add = true} : memref<512xf32, #tpu.memory_space<vmem>>[vector<16xi32>], vector<16xf32>,
      %mul3A_97 = arith.constant 64 : i32
      %mul3A_98 = arith.muli %scan3A_74, %mul3A_97 : i32
      %add3A_99 = arith.constant 16 : i32
      %add3A_100 = arith.addi %mul3A_98, %add3A_99 : i32
      %get3A_101 = arith.index_cast %add3A_100 : i32 to index
      %get3A_102 = tpu.vector_load %arg4[%get3A_101] {strides = array<i32>} : memref<16384xf32, #tpu.memory_space<vmem>>, vector<16xf32>,
      %abs3A_103 = math.absf %get3A_102 : vector<16xf32>
      %lt3A_104 = arith.constant 0.000000e+00 : f32
      %lt3A_105 = vector.broadcast %lt3A_104 : f32 to vector<16xf32>
      %lt3A_106 = arith.cmpf olt, %get3A_102, %lt3A_105 : vector<16xf32>
      %jit3A_107 = arith.constant 4.097000e+03 : f32
      %jit3A_108 = arith.constant 1.000000e+00 : f32
      %broadcast_in_dim3A_109 = vector.broadcast %jit3A_107 : f32 to vector<16xf32>
      %broadcast_in_dim3A_110 = vector.broadcast %jit3A_108 : f32 to vector<16xf32>
      %select_n3A_111 = arith.select %lt3A_106, %broadcast_in_dim3A_109, %broadcast_in_dim3A_110 : vector<16xi1>, vector<16xf32>
      %mul3A_112 = arith.constant 1.500000e+01 : f32
      %mul3A_113 = vector.broadcast %mul3A_112 : f32 to vector<16xf32>
      %mul3A_114 = arith.mulf %abs3A_103, %mul3A_113 : vector<16xf32>
      %convert_element_type3A_115 = arith.fptosi %mul3A_114 : vector<16xf32> to vector<16xi32>
      %min3A_116 = arith.constant 14 : i32
      %min3A_117 = vector.broadcast %min3A_116 : i32 to vector<16xi32>
      %min3A_118 = arith.minsi %convert_element_type3A_115, %min3A_117 : vector<16xi32>
      %mul3A_119 = arith.constant 16 : i32
      %mul3A_120 = vector.broadcast %mul3A_119 : i32 to vector<16xi32>
      %mul3A_121 = arith.muli %min3A_118, %mul3A_120 : vector<16xi32>
      %add3A_122 = arith.addi %mul3A_121, %iota3A : vector<16xi32>
      tpu.vector_store_idx %arg5[%add3A_122], %select_n3A_111 {add = true} : memref<512xf32, #tpu.memory_space<vmem>>[vector<16xi32>], vector<16xf32>,
      %add3A_123 = arith.constant 256 : i32
      %add3A_124 = vector.broadcast %add3A_123 : i32 to vector<16xi32>
      %add3A_125 = arith.addi %add3A_122, %add3A_124 : vector<16xi32>
      tpu.vector_store_idx %arg5[%add3A_125], %abs3A_103 {add = true} : memref<512xf32, #tpu.memory_space<vmem>>[vector<16xi32>], vector<16xf32>,
      %mul3A_126 = arith.constant 64 : i32
      %mul3A_127 = arith.muli %scan3A_74, %mul3A_126 : i32
      %add3A_128 = arith.constant 32 : i32
      %add3A_129 = arith.addi %mul3A_127, %add3A_128 : i32
      %get3A_130 = arith.index_cast %add3A_129 : i32 to index
      %get3A_131 = tpu.vector_load %arg4[%get3A_130] {strides = array<i32>} : memref<16384xf32, #tpu.memory_space<vmem>>, vector<16xf32>,
      %abs3A_132 = math.absf %get3A_131 : vector<16xf32>
      %lt3A_133 = arith.constant 0.000000e+00 : f32
      %lt3A_134 = vector.broadcast %lt3A_133 : f32 to vector<16xf32>
      %lt3A_135 = arith.cmpf olt, %get3A_131, %lt3A_134 : vector<16xf32>
      %jit3A_136 = arith.constant 4.097000e+03 : f32
      %jit3A_137 = arith.constant 1.000000e+00 : f32
      %broadcast_in_dim3A_138 = vector.broadcast %jit3A_136 : f32 to vector<16xf32>
      %broadcast_in_dim3A_139 = vector.broadcast %jit3A_137 : f32 to vector<16xf32>
      %select_n3A_140 = arith.select %lt3A_135, %broadcast_in_dim3A_138, %broadcast_in_dim3A_139 : vector<16xi1>, vector<16xf32>
      %mul3A_141 = arith.constant 1.500000e+01 : f32
      %mul3A_142 = vector.broadcast %mul3A_141 : f32 to vector<16xf32>
      %mul3A_143 = arith.mulf %abs3A_132, %mul3A_142 : vector<16xf32>
      %convert_element_type3A_144 = arith.fptosi %mul3A_143 : vector<16xf32> to vector<16xi32>
      %min3A_145 = arith.constant 14 : i32
      %min3A_146 = vector.broadcast %min3A_145 : i32 to vector<16xi32>
      %min3A_147 = arith.minsi %convert_element_type3A_144, %min3A_146 : vector<16xi32>
      %mul3A_148 = arith.constant 16 : i32
      %mul3A_149 = vector.broadcast %mul3A_148 : i32 to vector<16xi32>
      %mul3A_150 = arith.muli %min3A_147, %mul3A_149 : vector<16xi32>
      %add3A_151 = arith.addi %mul3A_150, %iota3A : vector<16xi32>
      tpu.vector_store_idx %arg5[%add3A_151], %select_n3A_140 {add = true} : memref<512xf32, #tpu.memory_space<vmem>>[vector<16xi32>], vector<16xf32>,
      %add3A_152 = arith.constant 256 : i32
      %add3A_153 = vector.broadcast %add3A_152 : i32 to vector<16xi32>
      %add3A_154 = arith.addi %add3A_151, %add3A_153 : vector<16xi32>
      tpu.vector_store_idx %arg5[%add3A_154], %abs3A_132 {add = true} : memref<512xf32, #tpu.memory_space<vmem>>[vector<16xi32>], vector<16xf32>,
      %mul3A_155 = arith.constant 64 : i32
      %mul3A_156 = arith.muli %scan3A_74, %mul3A_155 : i32
      %add3A_157 = arith.constant 48 : i32
      %add3A_158 = arith.addi %mul3A_156, %add3A_157 : i32
      %get3A_159 = arith.index_cast %add3A_158 : i32 to index
      %get3A_160 = tpu.vector_load %arg4[%get3A_159] {strides = array<i32>} : memref<16384xf32, #tpu.memory_space<vmem>>, vector<16xf32>,
      %abs3A_161 = math.absf %get3A_160 : vector<16xf32>
      %lt3A_162 = arith.constant 0.000000e+00 : f32
      %lt3A_163 = vector.broadcast %lt3A_162 : f32 to vector<16xf32>
      %lt3A_164 = arith.cmpf olt, %get3A_160, %lt3A_163 : vector<16xf32>
      %jit3A_165 = arith.constant 4.097000e+03 : f32
      %jit3A_166 = arith.constant 1.000000e+00 : f32
      %broadcast_in_dim3A_167 = vector.broadcast %jit3A_165 : f32 to vector<16xf32>
      %broadcast_in_dim3A_168 = vector.broadcast %jit3A_166 : f32 to vector<16xf32>
      %select_n3A_169 = arith.select %lt3A_164, %broadcast_in_dim3A_167, %broadcast_in_dim3A_168 : vector<16xi1>, vector<16xf32>
      %mul3A_170 = arith.constant 1.500000e+01 : f32
      %mul3A_171 = vector.broadcast %mul3A_170 : f32 to vector<16xf32>
      %mul3A_172 = arith.mulf %abs3A_161, %mul3A_171 : vector<16xf32>
      %convert_element_type3A_173 = arith.fptosi %mul3A_172 : vector<16xf32> to vector<16xi32>
      %min3A_174 = arith.constant 14 : i32
      %min3A_175 = vector.broadcast %min3A_174 : i32 to vector<16xi32>
      %min3A_176 = arith.minsi %convert_element_type3A_173, %min3A_175 : vector<16xi32>
      %mul3A_177 = arith.constant 16 : i32
      %mul3A_178 = vector.broadcast %mul3A_177 : i32 to vector<16xi32>
      %mul3A_179 = arith.muli %min3A_176, %mul3A_178 : vector<16xi32>
      %add3A_180 = arith.addi %mul3A_179, %iota3A : vector<16xi32>
      tpu.vector_store_idx %arg5[%add3A_180], %select_n3A_169 {add = true} : memref<512xf32, #tpu.memory_space<vmem>>[vector<16xi32>], vector<16xf32>,
      %add3A_181 = arith.constant 256 : i32
      %add3A_182 = vector.broadcast %add3A_181 : i32 to vector<16xi32>
      %add3A_183 = arith.addi %add3A_180, %add3A_182 : vector<16xi32>
      tpu.vector_store_idx %arg5[%add3A_183], %abs3A_161 {add = true} : memref<512xf32, #tpu.memory_space<vmem>>[vector<16xi32>], vector<16xf32>,
    }
    %scan3A_71 = arith.constant 256 : i32
    %mul3A_72 = arith.constant 512 : i32
    %mul3A_73 = arith.muli %add3A, %mul3A_72 : i32
    "tpu.region"() ({
      %run_scoped3A = tpu.sem_alloc : memref<!tpu.dma_semaphore, #tpu.memory_space<semaphore_mem>>
      %dma_start3A = tpu.memref_slice %arg3[%mul3A_73] : memref<16384xf32, #tpu.memory_space<hbm>> -> memref<512xf32, #tpu.memory_space<hbm>>
      %dma_start3A_74 = tpu.memref_slice %arg3[%mul3A_73] : memref<16384xf32, #tpu.memory_space<hbm>> -> memref<512xf32, #tpu.memory_space<hbm>>
      tpu.enqueue_dma source(%arg5 : memref<512xf32, #tpu.memory_space<vmem>>) target(%dma_start3A_74 : memref<512xf32, #tpu.memory_space<hbm>>) target_semaphore(%run_scoped3A : memref<!tpu.dma_semaphore, #tpu.memory_space<semaphore_mem>>)
      %dma_wait3A = tpu.memref_slice %arg3[%mul3A_73] : memref<16384xf32, #tpu.memory_space<hbm>> -> memref<512xf32, #tpu.memory_space<hbm>>
      %dma_wait3A_75 = tpu.memref_slice %arg3[%mul3A_73] : memref<16384xf32, #tpu.memory_space<hbm>> -> memref<512xf32, #tpu.memory_space<hbm>>
      tpu.wait_dma2 semaphore(%run_scoped3A : memref<!tpu.dma_semaphore, #tpu.memory_space<semaphore_mem>>) src(%arg5 : memref<512xf32, #tpu.memory_space<vmem>>) dst(%dma_wait3A_75 : memref<512xf32, #tpu.memory_space<hbm>>)
      tpu.yield
    }) : () -> ()
    return
  }
}

module attributes {stable_mosaic.version = 14 : i64} {
  func.func @_tc_body(%arg0: i32, %arg1: memref<64x32768xf32, #tpu.memory_space<vmem>>, %arg2: memref<1x1x32768xi32, #tpu.memory_space<vmem>>, %arg3: memref<1x1x32768xf32, #tpu.memory_space<vmem>>) attributes {dimension_semantics = [#tpu.dimension_semantics<arbitrary>], iteration_bounds = array<i64: 16>, scalar_prefetch = 0 : i64, scratch_operands = 0 : i64, tpu.core_type = #tpu.core_type<tc>, window_params = [{transform_indices = @transform_0, window_bounds = array<i64: 64, 32768>}, {transform_indices = @transform_1, window_bounds = array<i64: 1, 1, 32768>}, {transform_indices = @transform_2, window_bounds = array<i64: 1, 1, 32768>}]} {
    %get3A = arith.constant 0 : index
    %get3A_0 = arith.constant 0 : index
    %get3A_1 = vector.load %arg1[%get3A, %get3A_0] : memref<64x32768xf32, #tpu.memory_space<vmem>>, vector<64x32768xf32>
    %reduce_max3A = arith.constant dense<0xFF800000> : vector<32768xf32>
    %reduce_max3A_2 = vector.multi_reduction <maximumf>, %get3A_1, %reduce_max3A [0] : vector<64x32768xf32> to vector<32768xf32>
    %broadcast_in_dim3A = vector.shape_cast %reduce_max3A_2 : vector<32768xf32> to vector<1x32768xf32>
    %exp3A = math.exp %get3A_1 : vector<64x32768xf32>
    %broadcast_in_dim3A_3 = arith.constant 1.000000e+00 : f32
    %broadcast_in_dim3A_4 = vector.broadcast %broadcast_in_dim3A_3 : f32 to vector<1x64xf32>
    %dot_general3A = arith.constant dense<0.000000e+00> : vector<1x32768xf32>
    %dot_general3A_5 = tpu.matmul %broadcast_in_dim3A_4, %exp3A, %dot_general3A {dimension_numbers = #tpu.dot_dimension_numbers<[1], [0], [0], [1], [0, 0, 1, 1], [], []>, transpose_lhs_hint = false} : vector<1x64xf32>, vector<64x32768xf32>, vector<1x32768xf32> -> vector<1x32768xf32>
    %exp3A_6 = math.exp %broadcast_in_dim3A : vector<1x32768xf32>
    %div3A = arith.divf %exp3A_6, %dot_general3A_5 : vector<1x32768xf32>
    %eq3A = vector.broadcast %broadcast_in_dim3A : vector<1x32768xf32> to vector<64x32768xf32>
    %eq3A_7 = arith.cmpf oeq, %get3A_1, %eq3A : vector<64x32768xf32>
    %convert_element_type3A = arith.extui %eq3A_7 : vector<64x32768xi1> to vector<64x32768xi32>
    %convert_element_type3A_8 = arith.sitofp %convert_element_type3A : vector<64x32768xi32> to vector<64x32768xf32>
    %iota3A = tpu.iota {dimensions = array<i32: 1>} : vector<1x64xi32>
    %sub3A = arith.constant 190 : i32
    %sub3A_9 = vector.broadcast %sub3A : i32 to vector<1x64xi32>
    %sub3A_10 = arith.subi %sub3A_9, %iota3A : vector<1x64xi32>
    %shift_left3A = arith.constant 23 : i32
    %shift_left3A_11 = vector.broadcast %shift_left3A : i32 to vector<1x64xi32>
    %shift_left3A_12 = arith.shli %sub3A_10, %shift_left3A_11 : vector<1x64xi32>
    %bitcast_convert_type3A = tpu.bitcast %shift_left3A_12 : vector<1x64xi32> -> vector<1x64xf32>
    %dot_general3A_13 = arith.constant dense<0.000000e+00> : vector<1x32768xf32>
    %dot_general3A_14 = tpu.matmul %bitcast_convert_type3A, %convert_element_type3A_8, %dot_general3A_13 {dimension_numbers = #tpu.dot_dimension_numbers<[1], [0], [0], [1], [0, 0, 1, 1], [], []>, transpose_lhs_hint = false} : vector<1x64xf32>, vector<64x32768xf32>, vector<1x32768xf32> -> vector<1x32768xf32>
    %bitcast_convert_type3A_15 = tpu.bitcast %dot_general3A_14 : vector<1x32768xf32> -> vector<1x32768xi32>
    %shift_right_arithmetic3A = arith.constant 23 : i32
    %shift_right_arithmetic3A_16 = vector.broadcast %shift_right_arithmetic3A : i32 to vector<1x32768xi32>
    %shift_right_arithmetic3A_17 = arith.shrsi %bitcast_convert_type3A_15, %shift_right_arithmetic3A_16 : vector<1x32768xi32>
    %sub3A_18 = arith.constant 127 : i32
    %sub3A_19 = vector.broadcast %sub3A_18 : i32 to vector<1x32768xi32>
    %sub3A_20 = arith.subi %shift_right_arithmetic3A_17, %sub3A_19 : vector<1x32768xi32>
    %sub3A_21 = arith.constant 63 : i32
    %sub3A_22 = vector.broadcast %sub3A_21 : i32 to vector<1x32768xi32>
    %sub3A_23 = arith.subi %sub3A_22, %sub3A_20 : vector<1x32768xi32>
    %get3A_24 = arith.constant 0 : index
    %get3A_25 = arith.constant 0 : index
    %get3A_26 = arith.constant 0 : index
    %get3A_27 = vector.load %arg2[%get3A_24, %get3A_25, %get3A_26] : memref<1x1x32768xi32, #tpu.memory_space<vmem>>, vector<1x1x32768xi32>
    %get3A_28 = vector.shape_cast %get3A_27 : vector<1x1x32768xi32> to vector<1x32768xi32>
    %eq3A_29 = arith.cmpi eq, %sub3A_23, %get3A_28 : vector<1x32768xi32>
    %neg3A = arith.constant 0.000000e+00 : f32
    %neg3A_30 = vector.broadcast %neg3A : f32 to vector<1x32768xf32>
    %neg3A_31 = arith.subf %neg3A_30, %div3A : vector<1x32768xf32>
    %select_n3A = arith.select %eq3A_29, %neg3A_31, %div3A : vector<1x32768xi1>, vector<1x32768xf32>
    %swap3A = arith.constant 0 : index
    %swap3A_32 = arith.constant 0 : index
    %swap3A_33 = arith.constant 0 : index
    %swap3A_34 = vector.load %arg3[%swap3A, %swap3A_32, %swap3A_33] : memref<1x1x32768xf32, #tpu.memory_space<vmem>>, vector<1x1x32768xf32>
    %swap3A_35 = vector.shape_cast %swap3A_34 : vector<1x1x32768xf32> to vector<1x32768xf32>
    %swap3A_36 = vector.shape_cast %select_n3A : vector<1x32768xf32> to vector<1x1x32768xf32>
    tpu.vector_store %arg3[%swap3A, %swap3A_32, %swap3A_33], %swap3A_36 {strides = array<i32>} : memref<1x1x32768xf32, #tpu.memory_space<vmem>>, vector<1x1x32768xf32>,
    return
  }
  func.func @transform_0(%arg0: i32) -> (i32, i32) {
    %add3A = arith.constant 16 : i32
    %add3A_0 = arith.addi %add3A, %arg0 : i32
    %c0_i32 = arith.constant 0 : i32
    %c0_i32_1 = arith.constant 0 : i32
    return %c0_i32, %add3A_0 : i32, i32
  }
  func.func @transform_1(%arg0: i32) -> (i32, i32, i32) {
    %add3A = arith.constant 16 : i32
    %add3A_0 = arith.addi %add3A, %arg0 : i32
    %c0_i32 = arith.constant 0 : i32
    %c0_i32_1 = arith.constant 0 : i32
    %c0_i32_2 = arith.constant 0 : i32
    return %add3A_0, %c0_i32, %c0_i32_1 : i32, i32, i32
  }
  func.func @transform_2(%arg0: i32) -> (i32, i32, i32) {
    %c0_i32 = arith.constant 0 : i32
    %c0_i32_0 = arith.constant 0 : i32
    %c0_i32_1 = arith.constant 0 : i32
    return %arg0, %c0_i32, %c0_i32_0 : i32, i32, i32
  }
}

module attributes {stable_mosaic.version = 14 : i64} {
  func.func @_tc_body(%arg0: i32, %arg1: memref<64x32768xf32, #tpu.memory_space<vmem>>, %arg2: memref<1x1x32768xi32, #tpu.memory_space<vmem>>, %arg3: memref<1x1x32768xf32, #tpu.memory_space<vmem>>) attributes {dimension_semantics = [#tpu.dimension_semantics<arbitrary>], iteration_bounds = array<i64: 16>, scalar_prefetch = 0 : i64, scratch_operands = 0 : i64, tpu.core_type = #tpu.core_type<tc>, window_params = [{transform_indices = @transform_0, window_bounds = array<i64: 64, 32768>}, {transform_indices = @transform_1, window_bounds = array<i64: 1, 1, 32768>}, {transform_indices = @transform_2, window_bounds = array<i64: 1, 1, 32768>}]} {
    %get3A = arith.constant 0 : index
    %get3A_0 = arith.constant 0 : index
    %get3A_1 = vector.load %arg1[%get3A, %get3A_0] : memref<64x32768xf32, #tpu.memory_space<vmem>>, vector<64x32768xf32>
    %reduce_max3A = arith.constant dense<0xFF800000> : vector<32768xf32>
    %reduce_max3A_2 = vector.multi_reduction <maximumf>, %get3A_1, %reduce_max3A [0] : vector<64x32768xf32> to vector<32768xf32>
    %broadcast_in_dim3A = vector.shape_cast %reduce_max3A_2 : vector<32768xf32> to vector<1x32768xf32>
    %exp3A = math.exp %get3A_1 : vector<64x32768xf32>
    %broadcast_in_dim3A_3 = arith.constant 1.000000e+00 : f32
    %broadcast_in_dim3A_4 = vector.broadcast %broadcast_in_dim3A_3 : f32 to vector<1x64xf32>
    %dot_general3A = arith.constant dense<0.000000e+00> : vector<1x32768xf32>
    %dot_general3A_5 = tpu.matmul %broadcast_in_dim3A_4, %exp3A, %dot_general3A {dimension_numbers = #tpu.dot_dimension_numbers<[1], [0], [0], [1], [0, 0, 1, 1], [], []>, transpose_lhs_hint = false} : vector<1x64xf32>, vector<64x32768xf32>, vector<1x32768xf32> -> vector<1x32768xf32>
    %exp3A_6 = math.exp %broadcast_in_dim3A : vector<1x32768xf32>
    %div3A = arith.divf %exp3A_6, %dot_general3A_5 : vector<1x32768xf32>
    %eq3A = vector.broadcast %broadcast_in_dim3A : vector<1x32768xf32> to vector<64x32768xf32>
    %eq3A_7 = arith.cmpf oeq, %get3A_1, %eq3A : vector<64x32768xf32>
    %convert_element_type3A = arith.extui %eq3A_7 : vector<64x32768xi1> to vector<64x32768xi32>
    %convert_element_type3A_8 = arith.sitofp %convert_element_type3A : vector<64x32768xi32> to vector<64x32768xf32>
    %iota3A = tpu.iota {dimensions = array<i32: 1>} : vector<1x64xi32>
    %sub3A = arith.constant 190 : i32
    %sub3A_9 = vector.broadcast %sub3A : i32 to vector<1x64xi32>
    %sub3A_10 = arith.subi %sub3A_9, %iota3A : vector<1x64xi32>
    %shift_left3A = arith.constant 23 : i32
    %shift_left3A_11 = vector.broadcast %shift_left3A : i32 to vector<1x64xi32>
    %shift_left3A_12 = arith.shli %sub3A_10, %shift_left3A_11 : vector<1x64xi32>
    %bitcast_convert_type3A = tpu.bitcast %shift_left3A_12 : vector<1x64xi32> -> vector<1x64xf32>
    %dot_general3A_13 = arith.constant dense<0.000000e+00> : vector<1x32768xf32>
    %dot_general3A_14 = tpu.matmul %bitcast_convert_type3A, %convert_element_type3A_8, %dot_general3A_13 {dimension_numbers = #tpu.dot_dimension_numbers<[1], [0], [0], [1], [0, 0, 1, 1], [], []>, transpose_lhs_hint = false} : vector<1x64xf32>, vector<64x32768xf32>, vector<1x32768xf32> -> vector<1x32768xf32>
    %bitcast_convert_type3A_15 = tpu.bitcast %dot_general3A_14 : vector<1x32768xf32> -> vector<1x32768xi32>
    %shift_right_arithmetic3A = arith.constant 23 : i32
    %shift_right_arithmetic3A_16 = vector.broadcast %shift_right_arithmetic3A : i32 to vector<1x32768xi32>
    %shift_right_arithmetic3A_17 = arith.shrsi %bitcast_convert_type3A_15, %shift_right_arithmetic3A_16 : vector<1x32768xi32>
    %sub3A_18 = arith.constant 127 : i32
    %sub3A_19 = vector.broadcast %sub3A_18 : i32 to vector<1x32768xi32>
    %sub3A_20 = arith.subi %shift_right_arithmetic3A_17, %sub3A_19 : vector<1x32768xi32>
    %sub3A_21 = arith.constant 63 : i32
    %sub3A_22 = vector.broadcast %sub3A_21 : i32 to vector<1x32768xi32>
    %sub3A_23 = arith.subi %sub3A_22, %sub3A_20 : vector<1x32768xi32>
    %get3A_24 = arith.constant 0 : index
    %get3A_25 = arith.constant 0 : index
    %get3A_26 = arith.constant 0 : index
    %get3A_27 = vector.load %arg2[%get3A_24, %get3A_25, %get3A_26] : memref<1x1x32768xi32, #tpu.memory_space<vmem>>, vector<1x1x32768xi32>
    %get3A_28 = vector.shape_cast %get3A_27 : vector<1x1x32768xi32> to vector<1x32768xi32>
    %eq3A_29 = arith.cmpi eq, %sub3A_23, %get3A_28 : vector<1x32768xi32>
    %neg3A = arith.constant 0.000000e+00 : f32
    %neg3A_30 = vector.broadcast %neg3A : f32 to vector<1x32768xf32>
    %neg3A_31 = arith.subf %neg3A_30, %div3A : vector<1x32768xf32>
    %select_n3A = arith.select %eq3A_29, %neg3A_31, %div3A : vector<1x32768xi1>, vector<1x32768xf32>
    %swap3A = arith.constant 0 : index
    %swap3A_32 = arith.constant 0 : index
    %swap3A_33 = arith.constant 0 : index
    %swap3A_34 = vector.load %arg3[%swap3A, %swap3A_32, %swap3A_33] : memref<1x1x32768xf32, #tpu.memory_space<vmem>>, vector<1x1x32768xf32>
    %swap3A_35 = vector.shape_cast %swap3A_34 : vector<1x1x32768xf32> to vector<1x32768xf32>
    %swap3A_36 = vector.shape_cast %select_n3A : vector<1x32768xf32> to vector<1x1x32768xf32>
    tpu.vector_store %arg3[%swap3A, %swap3A_32, %swap3A_33], %swap3A_36 {strides = array<i32>} : memref<1x1x32768xf32, #tpu.memory_space<vmem>>, vector<1x1x32768xf32>,
    return
  }
  func.func @transform_0(%arg0: i32) -> (i32, i32) {
    %add3A = arith.constant 0 : i32
    %add3A_0 = arith.addi %add3A, %arg0 : i32
    %c0_i32 = arith.constant 0 : i32
    %c0_i32_1 = arith.constant 0 : i32
    return %c0_i32, %add3A_0 : i32, i32
  }
  func.func @transform_1(%arg0: i32) -> (i32, i32, i32) {
    %add3A = arith.constant 0 : i32
    %add3A_0 = arith.addi %add3A, %arg0 : i32
    %c0_i32 = arith.constant 0 : i32
    %c0_i32_1 = arith.constant 0 : i32
    %c0_i32_2 = arith.constant 0 : i32
    return %add3A_0, %c0_i32, %c0_i32_1 : i32, i32, i32
  }
  func.func @transform_2(%arg0: i32) -> (i32, i32, i32) {
    %c0_i32 = arith.constant 0 : i32
    %c0_i32_0 = arith.constant 0 : i32
    %c0_i32_1 = arith.constant 0 : i32
    return %arg0, %c0_i32, %c0_i32_0 : i32, i32, i32
  }
}

</mosaic_0001>

<sc_bundles>
// kernel: kernel.6.cloned.1.call-start
scs
__scs_entry_jumppad:
0x0: {  	(pc) =	sbr.rel $0x88, $3  }
0x1: {  	(tag) =	ssettag $0x0;
	lr =	simm.s32 $0x1  }
0x2: {  	[smem:$0x3F9F] =	sst lr;
	_ =	strace $0xD0000000  }
0x3: {  	_ = 	snop  }
0x4: {  	_ = 	snop  }
0x5: {  	_ = 	snop  }
0x6: {  	_ = 	snop  }
0x7: {  	_ = 	snop  }
__scs_overlays_trampoline_lowered:
0x8: {  	[smem:$0x3FAE] =	sst s0  }
0x9: {  	[smem:$0x3FAF] =	sst s1  }
0xa: {  	[smem:$0x3FB0] =	sst s2  }
0xb: {  	[smem:$0x3FB1] =	sst s3  }
0xc: {  	[smem:$0x3FB2] =	sst s4  }
0xd: {  	[smem:$0x3FB3] =	sst s5  }
0xe: {  	[smem:$0x3FB4] =	sst s6  }
0xf: {  	[smem:$0x3FB5] =	sst s7  }
0x10: {  	[smem:$0x3FB6] =	sst s8  }
0x11: {  	[smem:$0x3FB7] =	sst s9;
	s0 =	simm.s32 @!p0 $0x0  }
0x12: {  	s1 =	sld [smem:$0x3F9D];
	s0 =	simm.s32 @p0 $0x1  }
0x13: {  	[smem:$0x3FB8] =	sst s0;
	s0 =	simm.s32 @!p1 $0x0  }
0x14: {  	s2 =	sld [smem:$0x3F9C];
	s0 =	simm.s32 @p1 $0x1  }
0x15: {  	[smem:$0x3FB9] =	sst s0;
	s0 =	simm.s32 @!p2 $0x0  }
0x16: {  	s3 =	sld [smem:$0x3FDB];
	s0 =	simm.s32 @p2 $0x1  }
0x17: {  	s4 =	simm.s32 $0x1BF5;
	[smem:$0x3FBB] =	sst s0  }
0x18: {  	s0 =	sld [smem:$0x3F9E];
	_ =	swait.ge [sflag:s4], $0x0  }
0x19: {  	s7 =	sld [smem:$0x3F9F]  }
0x1a: {  	s8 =	sadd.s32 $0xFFFFE003, lr  }
0x1b: {  	s9 =	sadd.s32 $0xFFFFFEF7, lr;
	s5 =	simm.s32 $0xFFFFFFFF;
	p2 =	slt.u32 s8, $0xFFFFF086  }
0x1c: {  	p1 =	slt.u32 s9, $0xF7A;
	s5 =	simm.s32 @!p2 $0x0  }
0x1d: {  	s5 =	simm.s32 @p1 $0x1;
	p0 =	seq.s32 s7, s2  }
0x1e: {  	s7 =	smul.u32 @!p0 $0xF7A, s2;
	p2 =	seq.s32 @!p0 s5, $0x0  }
0x1f: {  	s9 =	smul.u32 $0xF7A, s1;
	s8 =	simm.s32 @!p0 $0x1BF5;
	p2 =	por !p2, p0  }
0x20: {  	[sflag:s8] =	ssyncset.s32 @!p0 $0xFFFFF086;
	s6 =	sadd.s32 @!p0 s3, s7;
	s7 =	simm.s32 @!p0 $0x108  }
0x21: {  	s3 =	sadd.s32 s3, s9;
	s6 =	sadd.s32 @!p0 $0x88, s6;
	s7 =	simm.s32 @p2 $0x1082  }
0x22: {  	[simem:s7], [sflag:s8] =	dma.local @!p0 [hbm:s6], $0xF7A  }
0x23: {  	s9 =	sor.u32 $0xD0000000, s2;
	s6 =	simm.s32 $0x108;
	_ =	swait.ge @!p0 [sflag:s8], $0x0  }
0x24: {  	s3 =	sadd.s32 $0x88, s3;
	s6 =	simm.s32 @!p1 $0x1082;
	[sflag:s4] =	ssyncset.s32 $0xFFFFF086  }
0x25: {  	[simem:s6], [sflag:s4] =	dma.local [hbm:s3], $0xF7A  }
0x26: {  	[smem:$0x3F9F] =	sst s1;
	(tag) =	ssettag s2;
	_ =	strace s9  }
0x27: {  	s1 =	sld [smem:$0x3FAF]  }
0x28: {  	s2 =	sld [smem:$0x3FB0]  }
0x29: {  	s4 =	sld [smem:$0x3FB2]  }
0x2a: {  	p0 =	seq.s32 s5, $0x0;
	s5 =	sld [smem:$0x3FB3]  }
0x2b: {  	s6 =	sld [smem:$0x3FB4]  }
0x2c: {  	s7 =	sld [smem:$0x3FB5]  }
0x2d: {  	s3 =	simm.s32 $0x108;
	s8 =	sld [smem:$0x3FB6]  }
0x2e: {  	s3 =	simm.s32 @!p0 $0x1082;
	s9 =	sld [smem:$0x3FB7]  }
0x2f: {  	lr =	sadd.s32 s0, s3;
	s0 =	sld [smem:$0x3FAE]  }
0x30: {  	s3 =	sld [smem:$0x3FB1]  }
0x31: {  	[smem:$0x3FBA] =	sst s10  }
0x32: {  	s10 =	sld [smem:$0x3FB8];
	_ =	sdelay $0x3  }
0x33: {  	p0 =	seq.s32 s10, $0x1;
	s10 =	sld [smem:$0x3FBA];
	_ =	sdelay $0x3  }
0x34: {  	[smem:$0x3FBA] =	sst s10  }
0x35: {  	s10 =	sld [smem:$0x3FB9];
	_ =	sdelay $0x3  }
0x36: {  	p1 =	seq.s32 s10, $0x1;
	s10 =	sld [smem:$0x3FBA];
	_ =	sdelay $0x3  }
0x37: {  	[smem:$0x3FBA] =	sst s10  }
0x38: {  	s10 =	sld [smem:$0x3FBB]  }
0x39: {  	_ = 	snop;
	(pc) =	sbr.ind lr, $3  }
0x3a: {  	_ = 	snop  }
0x3b: {  	_ = 	snop  }
0x3c: {  	p2 =	seq.s32 s10, $0x1;
	s10 =	sld [smem:$0x3FBA]  }
0x3d: {  	_ =	shalt  }
0x3e: {  	_ =	shalt  }
0x3f: {  	_ =	shalt  }
0x40: {  	_ =	shalt  }
0x41: {  	_ =	shalt  }
0x42: {  	_ =	shalt  }
0x43: {  	_ =	shalt  }
0x44: {  	_ =	shalt  }
0x45: {  	_ =	shalt  }
0x46: {  	_ =	shalt  }
0x47: {  	_ =	shalt  }
0x48: {  	_ =	shalt  }
0x49: {  	_ =	shalt  }
0x4a: {  	_ =	shalt  }
0x4b: {  	_ =	shalt  }
0x4c: {  	_ =	shalt  }
0x4d: {  	_ =	shalt  }
0x4e: {  	_ =	shalt  }
0x4f: {  	_ =	shalt  }
0x50: {  	_ =	shalt  }
0x51: {  	_ =	shalt  }
0x52: {  	_ =	shalt  }
0x53: {  	_ =	shalt  }
0x54: {  	_ =	shalt  }
0x55: {  	_ =	shalt  }
0x56: {  	_ =	shalt  }
0x57: {  	_ =	shalt  }
0x58: {  	_ =	shalt  }
0x59: {  	_ =	shalt  }
0x5a: {  	_ =	shalt  }
0x5b: {  	_ =	shalt  }
0x5c: {  	_ =	shalt  }
0x5d: {  	_ =	shalt  }
0x5e: {  	_ =	shalt  }
0x5f: {  	_ =	shalt  }
0x60: {  	_ =	shalt  }
0x61: {  	_ =	shalt  }
0x62: {  	_ =	shalt  }
0x63: {  	_ =	shalt  }
0x64: {  	_ =	shalt  }
0x65: {  	_ =	shalt  }
0x66: {  	_ =	shalt  }
0x67: {  	_ =	shalt  }
0x68: {  	_ =	shalt  }
0x69: {  	_ =	shalt  }
0x6a: {  	_ =	shalt  }
0x6b: {  	_ =	shalt  }
0x6c: {  	_ =	shalt  }
0x6d: {  	_ =	shalt  }
0x6e: {  	_ =	shalt  }
0x6f: {  	_ =	shalt  }
0x70: {  	_ =	shalt  }
0x71: {  	_ =	shalt  }
0x72: {  	_ =	shalt  }
0x73: {  	_ =	shalt  }
0x74: {  	_ =	shalt  }
0x75: {  	_ =	shalt  }
0x76: {  	_ =	shalt  }
0x77: {  	_ =	shalt  }
0x78: {  	_ =	shalt  }
0x79: {  	_ =	shalt  }
0x7a: {  	_ =	shalt  }
0x7b: {  	_ =	shalt  }
0x7c: {  	_ =	shalt  }
0x7d: {  	_ =	shalt  }
0x7e: {  	_ =	shalt  }
0x7f: {  	_ =	shalt  }
0x80: {  	_ =	shalt  }
0x81: {  	_ =	shalt  }
0x82: {  	_ =	shalt  }
0x83: {  	_ =	shalt  }
0x84: {  	_ =	shalt  }
0x85: {  	_ =	shalt  }
0x86: {  	_ =	shalt  }
0x87: {  	_ =	shalt  }
.Lfunc_end0:
.L_simem_size_0:
called_computation_lowered:
.L_overlay_start_0:
0x88: {  	s2 =	sld [smem:$0x3FD9]  }
0x89: {  	s3 =	sld [smem:$0x3FFE];
	_ =	sdelay $0x1  }
0x8a: {  	s1 =	srdreg.scid  }
0x8b: {  	s0 =	sand.u32 $0x1, s1  }
0x8c: {  	s16 =	sshll.u32 s0, $0xA;
	s2 =	sadd.s32 s3, s2  }
0x8d: {  	s2 =	sadd.s32 s2, s16  }
0x8e: {  	[smem:$0x3FC6] =	sst s2  }
0x8f: {  	_ = 	snop  }
0x90: {  	(tm) =	ssettm $0x1  }
0x91: {  	s17 =	sld [smem:$0x3FFB];
	_ =	sdelay $0x3  }
0x92: {  	_ =	strace s17  }
0x93: {  	s2 =	sld [smem:$0x3FFC];
	_ =	sdelay $0x3  }
0x94: {  	_ =	strace s2  }
0x95: {  	s2 =	sld [smem:$0x3FFD];
	_ =	sdelay $0x3  }
0x96: {  	_ =	strace s2  }
0x97: {  	_ =	strace $0x8FFFFFFF  }
0x98: {  	s18 =	sld [smem:$0x3FDB];
	_ =	sdelay $0x1  }
0x99: {  	s19 =	simm.s32 $_scs_section_size  }
0x9a: {  	s4 =	simm.s32 $_size__tile_overlayer_lowered;
	s5 =	simm.s32 $_tile_overlayer_lowered  }
0x9b: {  	s22 =	simm.s32 $0x1BFF;
	s21 =	sshll.u32 s5, $0x1;
	s2 =	sadd.s32 s19, s18  }
0x9c: {  	s6 =	simm.s32 $0x0;
	s20 =	sshll.u32 s4, $0x1;
	s4 =	sadd.s32 s21, s2  }
0x9d: {  	[timem:s6], [sflag:s22] =	dma.local [hbm:s4], s20  }
0x9e: {  	_ =	swait.ge [sflag:s22], s20  }
0x9f: {  	s3 =	ssub.s32 $0x0, s20;
	[sflag:s22] =	ssyncset.done $0x0  }
0xa0: {  	[sflag:s22] =	ssyncadd.s32 s3;
	_ =	sdelay $0x1  }
0xa1: {  	s23 =	simm.s32 $0x1B8B  }
0xa2: {  	_ =	swait.ge [sflag:s23], $0x1  }
0xa3: {  	[sflag:s23] =	ssyncset.done $0x0  }
0xa4: {  	s25 =	simm.s32 $0x1B8E;
	s24 =	sld [smem:$0x3FFE];
	[sflag:s23] =	ssyncadd.s32 $0xFFFFFFFF  }
0xa5: {  	s26 =	simm.s32 $execute0_lowered;
	[smem:$0x3FD2] =	sst s25  }
0xa6: {  	s4 =	sshll.u32 s26, $0x1;
	_ =	strace $0x80000046;
	[dreg:$0x1] =	wrdreg $0xFFFFFFFF  }
0xa7: {  	s28 =	simm.s32 $_size_execute0_lowered;
	s2 =	sadd.s32 s2, s4;
	[dreg:$0x0] =	wrdreg $0x0  }
0xa8: {  	s4 =	sshll.u32 s28, $0x1;
	[dreg:$0x2] =	wrdreg s2  }
0xa9: {  	[dreg:$0x3] =	wrdreg s4  }
0xaa: {  	[dreg:$0x4] =	wrdreg $0xC0  }
0xab: {  	_ =	task [dreg:s6], $0x5FFFF  }
0xac: {  	[dreg:$0x1] =	wrdreg $0xFFFFFFFF  }
0xad: {  	[dreg:$0x0] =	wrdreg $0x60  }
0xae: {  	[dreg:$0x2] =	wrdreg s24  }
0xaf: {  	[dreg:$0x3] =	wrdreg $0x9  }
0xb0: {  	_ =	task.clear_ibuf [dreg:s6], $0x4FFFF;
	_ =	strace $0x90000046  }
0xb1: {  	s29 =	simm.s32 $0x9;
	_ =	strace $0x80000048  }
0xb2: {  	_ =	swait.ge [sflag:s29], $0x1  }
0xb3: {  	[sflag:s29] =	ssyncadd.s32 $0xFFFFFFFF  }
0xb4: {  	_ =	strace $0x90000048  }
0xb5: {  	_ =	sfence  }
0xb6: {  	s30 =	sld [smem:$0x0];
	_ =	sdelay $0x2  }
0xb7: {  	s31 =	sshll.u32 s1, $0xD;
	s1 =	sshrl.u32 s1, $0x2  }
0xb8: {  	s3 =	sand.u32 $0x4000, s31;
	s1 =	sadd.s32 s1, s30  }
0xb9: {  	s0 =	sor.u32 s3, s0;
	s1 =	sshll.u32 s1, $0x11  }
0xba: {  	s0 =	sor.u32 s1, s0  }
0xbb: {  	s0 =	sadd.s32 $0x8F2B, s0  }
0xbc: {  	[sflag:s0] =	ssyncadd.remote.s32 $0x1  }
0xbd: {  	_ =	sfence.sel $0xFFFF  }
0xbe: {  	[dreg:$0x0] =	wrdreg $0xFFFFFFFF;
	(pc) =	sbr.abs _section_cstart, $3  }
0xbf: {  	[dreg:$0x1] =	wrdreg $0xFFFFFFFF  }
0xc0: {  	_ =	task.clear_ibuf [dreg:s6], $0x2FFFF;
	_ =	strace $0x9FFFFFFF  }
0xc1: {  	(tm) =	ssettm $0x7FFFFFFF  }
tec
execute0_lowered:
.L_overlay_start_1:
0x0: {  	(tag) =	ssettag $0x1  }
0x1: {  	s3 =	rddreg [dreg:$0x0]  }
0x2: {  	s0 =	rddreg [dreg:$0x1]  }
0x3: {  	s4 =	srdreg.scid;
	s1 =	stileid.u32  }
0x4: {  	s2 =	simm.s32 $0x0;
	s4 =	sand.u32 $0x1, s4;
	s5 =	sshll.u32 s1, $0x1  }
0x5: {  	s8 =	simm.s32 $0x0;
	[smem:$0x7FF] =	sst s2;
	s5 =	sor.u32 s4, s5  }
0x6: {  	s4 =	ssub.s32 $0x2, s4;
	_ =	strace $0x80000047;
	s6 =	sshll.u32 s5, $0x6  }
0x7: {  	s7 =	sshrl.u32 s4, $0x1;
	s31 =	sshll.u32 s5, $0xB;
	s6 =	sadd.s32 s6, s3  }
0x8: {  	v0 =	vlaneseq.u32;
	s7 =	ssub.s32 s4, s7;
	s3 =	sadd.s32 s3, s31;
	s4 =	sadd.s32 $0x10000, s6  }
0x9: {  	v1 =	vimm.f32 $0.0e+00;
	v2 =	vimm.f32 $1.000000000e+00;
	v3 =	vor.u32 $0x100, v0;
	s5 =	smax.u32 s7, $0x1;
	s6 =	simm.s32 $0x1;
	s7 =	simm.s32 $0x4000  }
.LBB2_1:
0xa: {  	[tilespmem:s2], [sflag:$0x1] =	stream.linear.gather [hbm4b:s3+s2], $0x4000, $0x38;
	[tilespmem:$0x4200] =	vst v63  }
0xb: {  	_ =	swait.ge [sflag:s6], $0x4000  }
0xc: {  	[sflag:s6] =	ssyncset.done $0x0  }
0xd: {  	[sflag:s6] =	ssyncadd.s32 $0xFFFFC000  }
0xe: {  	[tilespmem:$0x4000] =	vst v1  }
0xf: {  	[tilespmem:$0x4010] =	vst v1  }
0x10: {  	[tilespmem:$0x4020] =	vst v1  }
0x11: {  	[tilespmem:$0x4030] =	vst v1  }
0x12: {  	[tilespmem:$0x4040] =	vst v1  }
0x13: {  	[tilespmem:$0x4050] =	vst v1  }
0x14: {  	[tilespmem:$0x4060] =	vst v1  }
0x15: {  	[tilespmem:$0x4070] =	vst v1  }
0x16: {  	[tilespmem:$0x4080] =	vst v1  }
0x17: {  	[tilespmem:$0x4090] =	vst v1  }
0x18: {  	[tilespmem:$0x40A0] =	vst v1  }
0x19: {  	[tilespmem:$0x40B0] =	vst v1  }
0x1a: {  	[tilespmem:$0x40C0] =	vst v1  }
0x1b: {  	[tilespmem:$0x40D0] =	vst v1  }
0x1c: {  	[tilespmem:$0x40E0] =	vst v1  }
0x1d: {  	[tilespmem:$0x40F0] =	vst v1  }
0x1e: {  	[tilespmem:$0x4100] =	vst v1  }
0x1f: {  	[tilespmem:$0x4110] =	vst v1  }
0x20: {  	[tilespmem:$0x4120] =	vst v1  }
0x21: {  	[tilespmem:$0x4130] =	vst v1  }
0x22: {  	[tilespmem:$0x4140] =	vst v1  }
0x23: {  	[tilespmem:$0x4150] =	vst v1  }
0x24: {  	[tilespmem:$0x4160] =	vst v1  }
0x25: {  	[tilespmem:$0x4170] =	vst v1  }
0x26: {  	[tilespmem:$0x4180] =	vst v1  }
0x27: {  	[tilespmem:$0x4190] =	vst v1  }
0x28: {  	[tilespmem:$0x41A0] =	vst v1  }
0x29: {  	[tilespmem:$0x41B0] =	vst v1  }
0x2a: {  	[tilespmem:$0x41C0] =	vst v1  }
0x2b: {  	[tilespmem:$0x41D0] =	vst v1  }
0x2c: {  	[tilespmem:$0x41E0] =	vst v1  }
0x2d: {  	s9 =	simm.s32 $0x0;
	[tilespmem:$0x41F0] =	vst v1  }
.LBB2_2:
0x2e: {  	s10 =	sshra.s32 s9, $0x2  }
0x2f: {  	v4 =	vld [tilespmem:s10+$0x0];
	_ =	sdelay $0x4  }
0x30: {  	v5 =	vand.u32 $0x7FFFFFFF, v4  }
0x31: {  	v6 =	vmul.f32 $1.500000000e+01, v5;
	_ =	sdelay $0x1  }
0x32: {  	v6 =	vtrunc.f32 v6  }
0x33: {  	v6 =	vcvt.f32.s32 v6;
	_ =	sdelay $0x1  }
0x34: {  	vm0 =	vlt.s32 v6, $0xE  }
0x35: {  	v6 =	vnsel vm0, $0xE, v6  }
0x36: {  	v6 =	vshll.u32 v6, $0x4  }
0x37: {  	v7 =	vor.u32 v0, v6  }
0x38: {  	v6 =	vadd.s32 v3, v6;
	_ =	sdelay $0x1  }
0x39: {  	vm9 =	vlt.f32 v4, $0.0e+00  }
0x3a: {  	v4 =	vsel vm9, $0x45800800, v2  }
0x3b: {  	[tilespmem:v7+s7+$0x0] =	vst.idx.add.f32.msk $0xffff, v4  }
0x3c: {  	[tilespmem:v6+s7+$0x0] =	vst.idx.add.f32.msk $0xffff, v5  }
0x3d: {  	v4 =	vld [tilespmem:s10+$0x10];
	_ =	sdelay $0x4  }
0x3e: {  	v5 =	vand.u32 $0x7FFFFFFF, v4  }
0x3f: {  	v58 =	vmul.f32 $1.500000000e+01, v5;
	_ =	sdelay $0x1  }
0x40: {  	v6 =	vtrunc.f32 v58  }
0x41: {  	v6 =	vcvt.f32.s32 v6;
	_ =	sdelay $0x1  }
0x42: {  	vm10 =	vlt.s32 v6, $0xE  }
0x43: {  	v6 =	vnsel vm10, $0xE, v6  }
0x44: {  	v6 =	vshll.u32 v6, $0x4  }
0x45: {  	v59 =	vor.u32 v0, v6  }
0x46: {  	v6 =	vadd.s32 v3, v6;
	_ =	sdelay $0x1  }
0x47: {  	vm11 =	vlt.f32 v4, $0.0e+00  }
0x48: {  	v4 =	vsel vm11, $0x45800800, v2  }
0x49: {  	[tilespmem:v59+s7+$0x0] =	vst.idx.add.f32.msk $0xffff, v4  }
0x4a: {  	[tilespmem:v6+s7+$0x0] =	vst.idx.add.f32.msk $0xffff, v5  }
0x4b: {  	v4 =	vld [tilespmem:s10+$0x20];
	_ =	sdelay $0x4  }
0x4c: {  	v5 =	vand.u32 $0x7FFFFFFF, v4  }
0x4d: {  	v60 =	vmul.f32 $1.500000000e+01, v5;
	_ =	sdelay $0x1  }
0x4e: {  	v6 =	vtrunc.f32 v60  }
0x4f: {  	v6 =	vcvt.f32.s32 v6;
	_ =	sdelay $0x1  }
0x50: {  	vm12 =	vlt.s32 v6, $0xE  }
0x51: {  	v6 =	vnsel vm12, $0xE, v6  }
0x52: {  	v6 =	vshll.u32 v6, $0x4  }
0x53: {  	v61 =	vor.u32 v0, v6  }
0x54: {  	v6 =	vadd.s32 v3, v6;
	_ =	sdelay $0x1  }
0x55: {  	vm13 =	vlt.f32 v4, $0.0e+00  }
0x56: {  	v4 =	vsel vm13, $0x45800800, v2  }
0x57: {  	[tilespmem:v61+s7+$0x0] =	vst.idx.add.f32.msk $0xffff, v4  }
0x58: {  	[tilespmem:v6+s7+$0x0] =	vst.idx.add.f32.msk $0xffff, v5  }
0x59: {  	v4 =	vld [tilespmem:s10+$0x30];
	_ =	sdelay $0x4  }
0x5a: {  	v5 =	vand.u32 $0x7FFFFFFF, v4  }
0x5b: {  	v62 =	vmul.f32 $1.500000000e+01, v5;
	_ =	sdelay $0x1  }
0x5c: {  	v6 =	vtrunc.f32 v62  }
0x5d: {  	v6 =	vcvt.f32.s32 v6;
	_ =	sdelay $0x1  }
0x5e: {  	vm14 =	vlt.s32 v6, $0xE  }
0x5f: {  	v6 =	vnsel vm14, $0xE, v6  }
0x60: {  	v6 =	vshll.u32 v6, $0x4  }
0x61: {  	v63 =	vor.u32 v0, v6  }
0x62: {  	p0 =	sne.s32 s9, $0xFF00;
	v6 =	vadd.s32 v3, v6  }
.Ltmp0:
0x63: {  	_ = 	snop;
	(pc) =	sbr.rel @p0 .LBB2_2-.Ltmp0, $4  }
0x64: {  	vm15 =	vlt.f32 v4, $0.0e+00  }
0x65: {  	v4 =	vsel vm15, $0x45800800, v2  }
0x66: {  	[tilespmem:v63+s7+$0x0] =	vst.idx.add.f32.msk $0xffff, v4  }
0x67: {  	s9 =	sadd.s32 $0x100, s9;
	[tilespmem:v6+s7+$0x0] =	vst.idx.add.f32.msk $0xffff, v5  }
0x68: {  	s8 =	sadd.s32 $0x1, s8  }
0x69: {  	p0 =	sne.s32 s8, s5  }
.Ltmp1:
0x6a: {  	_ = 	snop;
	(pc) =	sbr.rel @p0 .LBB2_1-.Ltmp1, $4  }
0x6b: {  	[hbm4b:s4+s2] =	stream.linear.scatter [tilespmem:s7], [sflag:$0x1], $0x200, $0x38;
	[tilespmem:$0x4200] =	vst v63  }
0x6c: {  	_ =	swait.ge [sflag:s6], $0x200  }
0x6d: {  	[sflag:s6] =	ssyncset.done $0x0  }
0x6e: {  	[sflag:s6] =	ssyncadd.s32 $0xFFFFFE00  }
0x6f: {  	_ =	sfence.sel $0x180000  }
0x70: {  	[bflag:$0x0] =	sbarrier.arrive $0xFFFF  }
0x71: {  	p0 =	sne.s32 s1, $0x0;
	_ =	strace $0x90000047  }
0x72: {  	s0 =	sadd.s32 @!p0 $0x100000, s0;
	[bflag:$0x2] =	sbarrier.arrive $0xFFFF  }
0x73: {  	[sflag:s0] =	ssyncadd.tile.s32 @!p0 $0x1;
	_ =	shalt  }
.Lfunc_end2:
_tile_overlayer_lowered:
.L_overlay_start_2:
0x74: {  	(tag) =	ssettag $0x2  }
0x75: {  	s0 =	rddreg [dreg:$0x0];
	s2 =	stileid.u32  }
0x76: {  	s1 =	rddreg [dreg:$0x1];
	p0 =	sne.s32 s2, $0x0  }
0x77: {  	s3 =	rddreg [dreg:$0x2];
	[bflag:$0x3] =	sbarrier.arrive $0xFFFF;
	s2 =	simm.s32 @!p0 $0x1C01  }
0x78: {  	[timem:s3], [sflag:s2] =	dma.local @!p0 [hbm:s0], s1  }
0x79: {  	s0 =	simm.s32 @!p0 $0x1  }
0x7a: {  	_ =	swait.ge @!p0 [sflag:s0], s1  }
0x7b: {  	s1 =	ssub.s32 @!p0 $0x0, s1;
	[sflag:s0] =	ssyncset.done @!p0 $0x0  }
0x7c: {  	[sflag:s0] =	ssyncadd.s32 @!p0 s1  }
0x7d: {  	[bflag:$0x3] =	sbarrier.arrive $0xFFFF  }
0x7e: {  	_ =	shalt  }

// kernel: kernel.9.cloned.1.call-start
scs
__scs_entry_jumppad:
0x0: {  	(pc) =	sbr.rel $0x88, $3  }
0x1: {  	(tag) =	ssettag $0x0;
	lr =	simm.s32 $0x1  }
0x2: {  	[smem:$0x3F9F] =	sst lr;
	_ =	strace $0xD0000000  }
0x3: {  	_ = 	snop  }
0x4: {  	_ = 	snop  }
0x5: {  	_ = 	snop  }
0x6: {  	_ = 	snop  }
0x7: {  	_ = 	snop  }
__scs_overlays_trampoline_lowered:
0x8: {  	[smem:$0x3FAE] =	sst s0  }
0x9: {  	[smem:$0x3FAF] =	sst s1  }
0xa: {  	[smem:$0x3FB0] =	sst s2  }
0xb: {  	[smem:$0x3FB1] =	sst s3  }
0xc: {  	[smem:$0x3FB2] =	sst s4  }
0xd: {  	[smem:$0x3FB3] =	sst s5  }
0xe: {  	[smem:$0x3FB4] =	sst s6  }
0xf: {  	[smem:$0x3FB5] =	sst s7  }
0x10: {  	[smem:$0x3FB6] =	sst s8  }
0x11: {  	[smem:$0x3FB7] =	sst s9;
	s0 =	simm.s32 @!p0 $0x0  }
0x12: {  	s1 =	sld [smem:$0x3F9D];
	s0 =	simm.s32 @p0 $0x1  }
0x13: {  	[smem:$0x3FB8] =	sst s0;
	s0 =	simm.s32 @!p1 $0x0  }
0x14: {  	s2 =	sld [smem:$0x3F9C];
	s0 =	simm.s32 @p1 $0x1  }
0x15: {  	[smem:$0x3FB9] =	sst s0;
	s0 =	simm.s32 @!p2 $0x0  }
0x16: {  	s3 =	sld [smem:$0x3FDB];
	s0 =	simm.s32 @p2 $0x1  }
0x17: {  	s4 =	simm.s32 $0x1BF5;
	[smem:$0x3FBB] =	sst s0  }
0x18: {  	s0 =	sld [smem:$0x3F9E];
	_ =	swait.ge [sflag:s4], $0x0  }
0x19: {  	s7 =	sld [smem:$0x3F9F]  }
0x1a: {  	s8 =	sadd.s32 $0xFFFFE003, lr  }
0x1b: {  	s9 =	sadd.s32 $0xFFFFFEF7, lr;
	s5 =	simm.s32 $0xFFFFFFFF;
	p2 =	slt.u32 s8, $0xFFFFF086  }
0x1c: {  	p1 =	slt.u32 s9, $0xF7A;
	s5 =	simm.s32 @!p2 $0x0  }
0x1d: {  	s5 =	simm.s32 @p1 $0x1;
	p0 =	seq.s32 s7, s2  }
0x1e: {  	s7 =	smul.u32 @!p0 $0xF7A, s2;
	p2 =	seq.s32 @!p0 s5, $0x0  }
0x1f: {  	s9 =	smul.u32 $0xF7A, s1;
	s8 =	simm.s32 @!p0 $0x1BF5;
	p2 =	por !p2, p0  }
0x20: {  	[sflag:s8] =	ssyncset.s32 @!p0 $0xFFFFF086;
	s6 =	sadd.s32 @!p0 s3, s7;
	s7 =	simm.s32 @!p0 $0x108  }
0x21: {  	s3 =	sadd.s32 s3, s9;
	s6 =	sadd.s32 @!p0 $0x88, s6;
	s7 =	simm.s32 @p2 $0x1082  }
0x22: {  	[simem:s7], [sflag:s8] =	dma.local @!p0 [hbm:s6], $0xF7A  }
0x23: {  	s9 =	sor.u32 $0xD0000000, s2;
	s6 =	simm.s32 $0x108;
	_ =	swait.ge @!p0 [sflag:s8], $0x0  }
0x24: {  	s3 =	sadd.s32 $0x88, s3;
	s6 =	simm.s32 @!p1 $0x1082;
	[sflag:s4] =	ssyncset.s32 $0xFFFFF086  }
0x25: {  	[simem:s6], [sflag:s4] =	dma.local [hbm:s3], $0xF7A  }
0x26: {  	[smem:$0x3F9F] =	sst s1;
	(tag) =	ssettag s2;
	_ =	strace s9  }
0x27: {  	s1 =	sld [smem:$0x3FAF]  }
0x28: {  	s2 =	sld [smem:$0x3FB0]  }
0x29: {  	s4 =	sld [smem:$0x3FB2]  }
0x2a: {  	p0 =	seq.s32 s5, $0x0;
	s5 =	sld [smem:$0x3FB3]  }
0x2b: {  	s6 =	sld [smem:$0x3FB4]  }
0x2c: {  	s7 =	sld [smem:$0x3FB5]  }
0x2d: {  	s3 =	simm.s32 $0x108;
	s8 =	sld [smem:$0x3FB6]  }
0x2e: {  	s3 =	simm.s32 @!p0 $0x1082;
	s9 =	sld [smem:$0x3FB7]  }
0x2f: {  	lr =	sadd.s32 s0, s3;
	s0 =	sld [smem:$0x3FAE]  }
0x30: {  	s3 =	sld [smem:$0x3FB1]  }
0x31: {  	[smem:$0x3FBA] =	sst s10  }
0x32: {  	s10 =	sld [smem:$0x3FB8];
	_ =	sdelay $0x3  }
0x33: {  	p0 =	seq.s32 s10, $0x1;
	s10 =	sld [smem:$0x3FBA];
	_ =	sdelay $0x3  }
0x34: {  	[smem:$0x3FBA] =	sst s10  }
0x35: {  	s10 =	sld [smem:$0x3FB9];
	_ =	sdelay $0x3  }
0x36: {  	p1 =	seq.s32 s10, $0x1;
	s10 =	sld [smem:$0x3FBA];
	_ =	sdelay $0x3  }
0x37: {  	[smem:$0x3FBA] =	sst s10  }
0x38: {  	s10 =	sld [smem:$0x3FBB]  }
0x39: {  	_ = 	snop;
	(pc) =	sbr.ind lr, $3  }
0x3a: {  	_ = 	snop  }
0x3b: {  	_ = 	snop  }
0x3c: {  	p2 =	seq.s32 s10, $0x1;
	s10 =	sld [smem:$0x3FBA]  }
0x3d: {  	_ =	shalt  }
0x3e: {  	_ =	shalt  }
0x3f: {  	_ =	shalt  }
0x40: {  	_ =	shalt  }
0x41: {  	_ =	shalt  }
0x42: {  	_ =	shalt  }
0x43: {  	_ =	shalt  }
0x44: {  	_ =	shalt  }
0x45: {  	_ =	shalt  }
0x46: {  	_ =	shalt  }
0x47: {  	_ =	shalt  }
0x48: {  	_ =	shalt  }
0x49: {  	_ =	shalt  }
0x4a: {  	_ =	shalt  }
0x4b: {  	_ =	shalt  }
0x4c: {  	_ =	shalt  }
0x4d: {  	_ =	shalt  }
0x4e: {  	_ =	shalt  }
0x4f: {  	_ =	shalt  }
0x50: {  	_ =	shalt  }
0x51: {  	_ =	shalt  }
0x52: {  	_ =	shalt  }
0x53: {  	_ =	shalt  }
0x54: {  	_ =	shalt  }
0x55: {  	_ =	shalt  }
0x56: {  	_ =	shalt  }
0x57: {  	_ =	shalt  }
0x58: {  	_ =	shalt  }
0x59: {  	_ =	shalt  }
0x5a: {  	_ =	shalt  }
0x5b: {  	_ =	shalt  }
0x5c: {  	_ =	shalt  }
0x5d: {  	_ =	shalt  }
0x5e: {  	_ =	shalt  }
0x5f: {  	_ =	shalt  }
0x60: {  	_ =	shalt  }
0x61: {  	_ =	shalt  }
0x62: {  	_ =	shalt  }
0x63: {  	_ =	shalt  }
0x64: {  	_ =	shalt  }
0x65: {  	_ =	shalt  }
0x66: {  	_ =	shalt  }
0x67: {  	_ =	shalt  }
0x68: {  	_ =	shalt  }
0x69: {  	_ =	shalt  }
0x6a: {  	_ =	shalt  }
0x6b: {  	_ =	shalt  }
0x6c: {  	_ =	shalt  }
0x6d: {  	_ =	shalt  }
0x6e: {  	_ =	shalt  }
0x6f: {  	_ =	shalt  }
0x70: {  	_ =	shalt  }
0x71: {  	_ =	shalt  }
0x72: {  	_ =	shalt  }
0x73: {  	_ =	shalt  }
0x74: {  	_ =	shalt  }
0x75: {  	_ =	shalt  }
0x76: {  	_ =	shalt  }
0x77: {  	_ =	shalt  }
0x78: {  	_ =	shalt  }
0x79: {  	_ =	shalt  }
0x7a: {  	_ =	shalt  }
0x7b: {  	_ =	shalt  }
0x7c: {  	_ =	shalt  }
0x7d: {  	_ =	shalt  }
0x7e: {  	_ =	shalt  }
0x7f: {  	_ =	shalt  }
0x80: {  	_ =	shalt  }
0x81: {  	_ =	shalt  }
0x82: {  	_ =	shalt  }
0x83: {  	_ =	shalt  }
0x84: {  	_ =	shalt  }
0x85: {  	_ =	shalt  }
0x86: {  	_ =	shalt  }
0x87: {  	_ =	shalt  }
.Lfunc_end0:
.L_simem_size_0:
called_computation.1_lowered:
.L_overlay_start_0:
0x88: {  	s2 =	sld [smem:$0x3FD9]  }
0x89: {  	s3 =	sld [smem:$0x3FFE];
	_ =	sdelay $0x1  }
0x8a: {  	s1 =	srdreg.scid  }
0x8b: {  	s0 =	sand.u32 $0x1, s1  }
0x8c: {  	s17 =	sshll.u32 s0, $0xA;
	s2 =	sadd.s32 s3, s2  }
0x8d: {  	s2 =	sadd.s32 s2, s17  }
0x8e: {  	[smem:$0x3FC6] =	sst s2  }
0x8f: {  	_ = 	snop  }
0x90: {  	(tm) =	ssettm $0x1  }
0x91: {  	s18 =	sld [smem:$0x3FFB];
	_ =	sdelay $0x3  }
0x92: {  	_ =	strace s18  }
0x93: {  	s2 =	sld [smem:$0x3FFC];
	_ =	sdelay $0x3  }
0x94: {  	_ =	strace s2  }
0x95: {  	s2 =	sld [smem:$0x3FFD];
	_ =	sdelay $0x3  }
0x96: {  	_ =	strace s2  }
0x97: {  	_ =	strace $0x8FFFFFFF  }
0x98: {  	s19 =	sld [smem:$0x3FDB];
	_ =	sdelay $0x1  }
0x99: {  	s20 =	simm.s32 $_scs_section_size  }
0x9a: {  	s4 =	simm.s32 $_size__tile_overlayer_lowered;
	s5 =	simm.s32 $_tile_overlayer_lowered  }
0x9b: {  	s6 =	simm.s32 $0x1BFF;
	s21 =	sshll.u32 s5, $0x1;
	s3 =	sadd.s32 s20, s19  }
0x9c: {  	s22 =	simm.s32 $0x0;
	s4 =	sshll.u32 s4, $0x1;
	s5 =	sadd.s32 s21, s3  }
0x9d: {  	[timem:s22], [sflag:s6] =	dma.local [hbm:s5], s4  }
0x9e: {  	_ =	swait.ge [sflag:s6], s4  }
0x9f: {  	s4 =	ssub.s32 $0x0, s4;
	[sflag:s6] =	ssyncset.done $0x0  }
0xa0: {  	[sflag:s6] =	ssyncadd.s32 s4;
	_ =	sdelay $0x1  }
0xa1: {  	s23 =	simm.s32 $0x1B8B  }
0xa2: {  	_ =	swait.ge [sflag:s23], $0x1  }
0xa3: {  	[sflag:s23] =	ssyncset.done $0x0  }
0xa4: {  	[sflag:s23] =	ssyncadd.s32 $0xFFFFFFFF  }
0xa5: {  	s4 =	sld [smem:$0x0]  }
0xa6: {  	s5 =	sand.u32 $0xFFFFFFFE, s1  }
0xa7: {  	p0 =	sne.s32 s1, s5  }
0xa8: {  	s5 =	sshll.u32 @p0 s5, $0xE  }
0xa9: {  	s5 =	sadd.s32 @p0 $0x11B8D, s5;
	s6 =	sshll.u32 @p0 s4, $0x11  }
0xaa: {  	s5 =	sor.u32 @p0 s6, s5  }
0xab: {  	[sflag:s5] =	ssyncadd.remote.s32 @p0 $0x1;
	_ =	sdelay $0x1  }
0xac: {  	s5 =	simm.s32 @p0 $0x1B8D  }
0xad: {  	_ =	swait.eq @p0 [sflag:s5], $0x1  }
0xae: {  	[sflag:s5] =	ssyncadd.s32 @p0 $0xFFFFFFFF  }
0xaf: {  	s6 =	sshll.u32 @!p0 s1, $0xE  }
0xb0: {  	s6 =	sor.u32 @!p0 $0x4000, s6;
	s5 =	simm.s32 @!p0 $0x1B8D  }
0xb1: {  	s4 =	sshll.u32 @!p0 s4, $0x11;
	s6 =	sadd.s32 @!p0 $0x11B8D, s6;
	_ =	swait.eq @!p0 [sflag:s5], $0x1  }
0xb2: {  	s4 =	sor.u32 @!p0 s4, s6;
	[sflag:s5] =	ssyncadd.s32 @!p0 $0xFFFFFFFF  }
0xb3: {  	s25 =	simm.s32 $0x1B8E;
	s24 =	sld [smem:$0x3FFE];
	[sflag:s4] =	ssyncadd.remote.s32 @!p0 $0x1  }
0xb4: {  	s26 =	simm.s32 $execute0_lowered;
	[smem:$0x3FD2] =	sst s25  }
0xb5: {  	s5 =	sshll.u32 s26, $0x1;
	_ =	strace $0x80000049;
	[dreg:$0x1] =	wrdreg $0xFFFFFFFF  }
0xb6: {  	s28 =	simm.s32 $_size_execute0_lowered;
	s3 =	sadd.s32 s3, s5;
	[dreg:$0x0] =	wrdreg $0x0  }
0xb7: {  	s5 =	sshll.u32 s28, $0x1;
	[dreg:$0x2] =	wrdreg s3  }
0xb8: {  	[dreg:$0x3] =	wrdreg s5  }
0xb9: {  	[dreg:$0x4] =	wrdreg $0xC0  }
0xba: {  	_ =	task [dreg:s22], $0x5FFFF  }
0xbb: {  	[dreg:$0x1] =	wrdreg $0xFFFFFFFF  }
0xbc: {  	[dreg:$0x0] =	wrdreg $0x60  }
0xbd: {  	[dreg:$0x2] =	wrdreg s24  }
0xbe: {  	[dreg:$0x3] =	wrdreg $0xA  }
0xbf: {  	_ =	task.clear_ibuf [dreg:s22], $0x4FFFF;
	_ =	strace $0x90000049  }
0xc0: {  	s29 =	simm.s32 $0xA;
	_ =	strace $0x8000004B  }
0xc1: {  	_ =	swait.ge [sflag:s29], $0x1  }
0xc2: {  	[sflag:s29] =	ssyncadd.s32 $0xFFFFFFFF  }
0xc3: {  	_ =	strace $0x9000004B  }
0xc4: {  	_ =	sfence  }
0xc5: {  	s30 =	sld [smem:$0x0];
	_ =	sdelay $0x2  }
0xc6: {  	s31 =	sshll.u32 s1, $0xD;
	s1 =	sshrl.u32 s1, $0x2  }
0xc7: {  	s4 =	sand.u32 $0x4000, s31;
	s1 =	sadd.s32 s1, s30  }
0xc8: {  	s0 =	sor.u32 s4, s0;
	s1 =	sshll.u32 s1, $0x11  }
0xc9: {  	s0 =	sor.u32 s1, s0  }
0xca: {  	s0 =	sadd.s32 $0x8F2B, s0  }
0xcb: {  	[sflag:s0] =	ssyncadd.remote.s32 $0x1  }
0xcc: {  	_ =	sfence.sel $0xFFFF  }
0xcd: {  	[dreg:$0x0] =	wrdreg $0xFFFFFFFF;
	(pc) =	sbr.abs _section_cstart, $3  }
0xce: {  	[dreg:$0x1] =	wrdreg $0xFFFFFFFF  }
0xcf: {  	_ =	task.clear_ibuf [dreg:s22], $0x2FFFF;
	_ =	strace $0x9FFFFFFF  }
0xd0: {  	(tm) =	ssettm $0x7FFFFFFF  }
0xd1: {  	_ =	shalt  }
tec
execute0_lowered:
.L_overlay_start_1:
0x0: {  	(tag) =	ssettag $0x1  }
0x1: {  	s3 =	rddreg [dreg:$0x0]  }
0x2: {  	s0 =	rddreg [dreg:$0x1]  }
0x3: {  	s2 =	simm.s32 $0x0;
	s4 =	srdreg.scid;
	s1 =	stileid.u32  }
0x4: {  	[smem:$0x7FF] =	sst s2;
	s4 =	sand.u32 $0x1, s4;
	s5 =	sshll.u32 s1, $0x1  }
0x5: {  	s8 =	simm.s32 $0x0;
	_ =	strace $0x8000004A;
	s5 =	sor.u32 s4, s5  }
0x6: {  	s4 =	ssub.s32 $0x2, s4;
	s6 =	sshll.u32 s5, $0xB;
	s5 =	sshll.u32 s5, $0x6  }
0x7: {  	s7 =	sshrl.u32 s4, $0x1;
	s6 =	sadd.s32 s6, s3;
	s5 =	sadd.s32 s5, s3  }
0x8: {  	v0 =	vlaneseq.u32;
	s7 =	ssub.s32 s4, s7;
	s3 =	sadd.s32 $0x10800, s6;
	s4 =	sadd.s32 $0x20800, s5  }
0x9: {  	v1 =	vimm.f32 $0.0e+00;
	v2 =	vimm.f32 $1.000000000e+00;
	v3 =	vor.u32 $0x100, v0;
	s5 =	smax.u32 s7, $0x1;
	s6 =	simm.s32 $0x1;
	s7 =	simm.s32 $0x4000  }
.LBB2_1:
0xa: {  	[tilespmem:s2], [sflag:$0x1] =	stream.linear.gather [hbm4b:s3+s2], $0x4000, $0x38;
	[tilespmem:$0x4200] =	vst v63  }
0xb: {  	_ =	swait.ge [sflag:s6], $0x4000  }
0xc: {  	[sflag:s6] =	ssyncset.done $0x0  }
0xd: {  	[sflag:s6] =	ssyncadd.s32 $0xFFFFC000  }
0xe: {  	[tilespmem:$0x4000] =	vst v1  }
0xf: {  	[tilespmem:$0x4010] =	vst v1  }
0x10: {  	[tilespmem:$0x4020] =	vst v1  }
0x11: {  	[tilespmem:$0x4030] =	vst v1  }
0x12: {  	[tilespmem:$0x4040] =	vst v1  }
0x13: {  	[tilespmem:$0x4050] =	vst v1  }
0x14: {  	[tilespmem:$0x4060] =	vst v1  }
0x15: {  	[tilespmem:$0x4070] =	vst v1  }
0x16: {  	[tilespmem:$0x4080] =	vst v1  }
0x17: {  	[tilespmem:$0x4090] =	vst v1  }
0x18: {  	[tilespmem:$0x40A0] =	vst v1  }
0x19: {  	[tilespmem:$0x40B0] =	vst v1  }
0x1a: {  	[tilespmem:$0x40C0] =	vst v1  }
0x1b: {  	[tilespmem:$0x40D0] =	vst v1  }
0x1c: {  	[tilespmem:$0x40E0] =	vst v1  }
0x1d: {  	[tilespmem:$0x40F0] =	vst v1  }
0x1e: {  	[tilespmem:$0x4100] =	vst v1  }
0x1f: {  	[tilespmem:$0x4110] =	vst v1  }
0x20: {  	[tilespmem:$0x4120] =	vst v1  }
0x21: {  	[tilespmem:$0x4130] =	vst v1  }
0x22: {  	[tilespmem:$0x4140] =	vst v1  }
0x23: {  	[tilespmem:$0x4150] =	vst v1  }
0x24: {  	[tilespmem:$0x4160] =	vst v1  }
0x25: {  	[tilespmem:$0x4170] =	vst v1  }
0x26: {  	[tilespmem:$0x4180] =	vst v1  }
0x27: {  	[tilespmem:$0x4190] =	vst v1  }
0x28: {  	[tilespmem:$0x41A0] =	vst v1  }
0x29: {  	[tilespmem:$0x41B0] =	vst v1  }
0x2a: {  	[tilespmem:$0x41C0] =	vst v1  }
0x2b: {  	[tilespmem:$0x41D0] =	vst v1  }
0x2c: {  	[tilespmem:$0x41E0] =	vst v1  }
0x2d: {  	s9 =	simm.s32 $0x0;
	[tilespmem:$0x41F0] =	vst v1  }
.LBB2_2:
0x2e: {  	s10 =	sshra.s32 s9, $0x2  }
0x2f: {  	v4 =	vld [tilespmem:s10+$0x0];
	_ =	sdelay $0x4  }
0x30: {  	v5 =	vand.u32 $0x7FFFFFFF, v4  }
0x31: {  	v6 =	vmul.f32 $1.500000000e+01, v5;
	_ =	sdelay $0x1  }
0x32: {  	v6 =	vtrunc.f32 v6  }
0x33: {  	v6 =	vcvt.f32.s32 v6;
	_ =	sdelay $0x1  }
0x34: {  	vm0 =	vlt.s32 v6, $0xE  }
0x35: {  	v6 =	vnsel vm0, $0xE, v6  }
0x36: {  	v6 =	vshll.u32 v6, $0x4  }
0x37: {  	v7 =	vor.u32 v0, v6  }
0x38: {  	v6 =	vadd.s32 v3, v6;
	_ =	sdelay $0x1  }
0x39: {  	vm9 =	vlt.f32 v4, $0.0e+00  }
0x3a: {  	v4 =	vsel vm9, $0x45800800, v2  }
0x3b: {  	[tilespmem:v7+s7+$0x0] =	vst.idx.add.f32.msk $0xffff, v4  }
0x3c: {  	[tilespmem:v6+s7+$0x0] =	vst.idx.add.f32.msk $0xffff, v5  }
0x3d: {  	v4 =	vld [tilespmem:s10+$0x10];
	_ =	sdelay $0x4  }
0x3e: {  	v5 =	vand.u32 $0x7FFFFFFF, v4  }
0x3f: {  	v58 =	vmul.f32 $1.500000000e+01, v5;
	_ =	sdelay $0x1  }
0x40: {  	v6 =	vtrunc.f32 v58  }
0x41: {  	v6 =	vcvt.f32.s32 v6;
	_ =	sdelay $0x1  }
0x42: {  	vm10 =	vlt.s32 v6, $0xE  }
0x43: {  	v6 =	vnsel vm10, $0xE, v6  }
0x44: {  	v6 =	vshll.u32 v6, $0x4  }
0x45: {  	v59 =	vor.u32 v0, v6  }
0x46: {  	v6 =	vadd.s32 v3, v6;
	_ =	sdelay $0x1  }
0x47: {  	vm11 =	vlt.f32 v4, $0.0e+00  }
0x48: {  	v4 =	vsel vm11, $0x45800800, v2  }
0x49: {  	[tilespmem:v59+s7+$0x0] =	vst.idx.add.f32.msk $0xffff, v4  }
0x4a: {  	[tilespmem:v6+s7+$0x0] =	vst.idx.add.f32.msk $0xffff, v5  }
0x4b: {  	v4 =	vld [tilespmem:s10+$0x20];
	_ =	sdelay $0x4  }
0x4c: {  	v5 =	vand.u32 $0x7FFFFFFF, v4  }
0x4d: {  	v60 =	vmul.f32 $1.500000000e+01, v5;
	_ =	sdelay $0x1  }
0x4e: {  	v6 =	vtrunc.f32 v60  }
0x4f: {  	v6 =	vcvt.f32.s32 v6;
	_ =	sdelay $0x1  }
0x50: {  	vm12 =	vlt.s32 v6, $0xE  }
0x51: {  	v6 =	vnsel vm12, $0xE, v6  }
0x52: {  	v6 =	vshll.u32 v6, $0x4  }
0x53: {  	v61 =	vor.u32 v0, v6  }
0x54: {  	v6 =	vadd.s32 v3, v6;
	_ =	sdelay $0x1  }
0x55: {  	vm13 =	vlt.f32 v4, $0.0e+00  }
0x56: {  	v4 =	vsel vm13, $0x45800800, v2  }
0x57: {  	[tilespmem:v61+s7+$0x0] =	vst.idx.add.f32.msk $0xffff, v4  }
0x58: {  	[tilespmem:v6+s7+$0x0] =	vst.idx.add.f32.msk $0xffff, v5  }
0x59: {  	v4 =	vld [tilespmem:s10+$0x30];
	_ =	sdelay $0x4  }
0x5a: {  	v5 =	vand.u32 $0x7FFFFFFF, v4  }
0x5b: {  	v62 =	vmul.f32 $1.500000000e+01, v5;
	_ =	sdelay $0x1  }
0x5c: {  	v6 =	vtrunc.f32 v62  }
0x5d: {  	v6 =	vcvt.f32.s32 v6;
	_ =	sdelay $0x1  }
0x5e: {  	vm14 =	vlt.s32 v6, $0xE  }
0x5f: {  	v6 =	vnsel vm14, $0xE, v6  }
0x60: {  	v6 =	vshll.u32 v6, $0x4  }
0x61: {  	v63 =	vor.u32 v0, v6  }
0x62: {  	p0 =	sne.s32 s9, $0xFF00;
	v6 =	vadd.s32 v3, v6  }
.Ltmp0:
0x63: {  	_ = 	snop;
	(pc) =	sbr.rel @p0 .LBB2_2-.Ltmp0, $4  }
0x64: {  	vm15 =	vlt.f32 v4, $0.0e+00  }
0x65: {  	v4 =	vsel vm15, $0x45800800, v2  }
0x66: {  	[tilespmem:v63+s7+$0x0] =	vst.idx.add.f32.msk $0xffff, v4  }
0x67: {  	s9 =	sadd.s32 $0x100, s9;
	[tilespmem:v6+s7+$0x0] =	vst.idx.add.f32.msk $0xffff, v5  }
0x68: {  	s8 =	sadd.s32 $0x1, s8  }
0x69: {  	p0 =	sne.s32 s8, s5  }
.Ltmp1:
0x6a: {  	_ = 	snop;
	(pc) =	sbr.rel @p0 .LBB2_1-.Ltmp1, $4  }
0x6b: {  	[hbm4b:s4+s2] =	stream.linear.scatter [tilespmem:s7], [sflag:$0x1], $0x200, $0x38;
	[tilespmem:$0x4200] =	vst v63  }
0x6c: {  	_ =	swait.ge [sflag:s6], $0x200  }
0x6d: {  	[sflag:s6] =	ssyncset.done $0x0  }
0x6e: {  	[sflag:s6] =	ssyncadd.s32 $0xFFFFFE00  }
0x6f: {  	_ =	sfence.sel $0x180000  }
0x70: {  	[bflag:$0x0] =	sbarrier.arrive $0xFFFF  }
0x71: {  	p0 =	sne.s32 s1, $0x0;
	_ =	strace $0x9000004A  }
0x72: {  	s0 =	sadd.s32 @!p0 $0x100000, s0;
	[bflag:$0x2] =	sbarrier.arrive $0xFFFF  }
0x73: {  	[sflag:s0] =	ssyncadd.tile.s32 @!p0 $0x1;
	_ =	shalt  }
.Lfunc_end2:
_tile_overlayer_lowered:
.L_overlay_start_2:
0x74: {  	(tag) =	ssettag $0x2  }
0x75: {  	s0 =	rddreg [dreg:$0x0];
	s2 =	stileid.u32  }
0x76: {  	s1 =	rddreg [dreg:$0x1];
	p0 =	sne.s32 s2, $0x0  }
0x77: {  	s3 =	rddreg [dreg:$0x2];
	[bflag:$0x3] =	sbarrier.arrive $0xFFFF;
	s2 =	simm.s32 @!p0 $0x1C01  }
0x78: {  	[timem:s3], [sflag:s2] =	dma.local @!p0 [hbm:s0], s1  }
0x79: {  	s0 =	simm.s32 @!p0 $0x1  }
0x7a: {  	_ =	swait.ge @!p0 [sflag:s0], s1  }
0x7b: {  	s1 =	ssub.s32 @!p0 $0x0, s1;
	[sflag:s0] =	ssyncset.done @!p0 $0x0  }
0x7c: {  	[sflag:s0] =	ssyncadd.s32 @!p0 s1  }
0x7d: {  	[bflag:$0x3] =	sbarrier.arrive $0xFFFF  }
0x7e: {  	_ =	shalt  }

</sc_bundles>
